<compile_context>
chip_gen: v7x
topology: tpu7x:2x2x1
jax: 0.10.2.dev20260603
libtpu: 0.0.44.dev20260713+nightly
codegen_flags: <defaults>
</compile_context>

<pallas_src>
import functools

import jax
import jax.numpy as jnp
from jax import lax
from jax.experimental import pallas as pl
from jax.experimental.pallas import tpu as pltpu
from jax.experimental.pallas import tpu_sc as plsc

BATCH = 16384
HIST = 50
EMBED_DIM = 64
NTOT = BATCH * HIST

NC = 2
NS = 16
NW = NC * NS
BPW = NTOT // NW

C = 256
NCH = BPW // C
NBUF = 5
K = 3

_mesh = plsc.VectorSubcoreMesh(
    core_axis_name="c", subcore_axis_name="s", num_cores=NC, num_subcores=NS
)


@functools.partial(
    pl.kernel,
    out_type=jax.ShapeDtypeStruct((NTOT, EMBED_DIM), jnp.float32),
    mesh=_mesh,
    compiler_params=pltpu.CompilerParams(use_tc_tiling_on_sc=False),
    scratch_types=[
        pltpu.VMEM((NCH, C), jnp.int32),
        pltpu.VMEM((NBUF, C, EMBED_DIM), jnp.float32),
        pltpu.SemaphoreType.DMA((NBUF,)),
        pltpu.SemaphoreType.DMA((NBUF,)),
    ],
)
def _embed_gather(x_hbm, table_hbm, out_hbm, idx_v, rows_v, gsem, osem):
    wid = lax.axis_index("s") * NC + lax.axis_index("c")
    chunk0 = wid * NCH

    pltpu.sync_copy(x_hbm.at[pl.ds(chunk0, NCH)], idx_v)

    def gather_start(ch, b):
        pltpu.make_async_copy(
            table_hbm.at[idx_v.at[ch]], rows_v.at[b], gsem.at[b]
        ).start()

    def gather_wait(ch, b):
        pltpu.make_async_copy(
            table_hbm.at[idx_v.at[ch]], rows_v.at[b], gsem.at[b]
        ).wait()

    def out_start(ch, b):
        pltpu.make_async_copy(
            rows_v.at[b], out_hbm.at[pl.ds((chunk0 + ch) * C, C)], osem.at[b]
        ).start()

    def out_wait(ch, b):
        pltpu.make_async_copy(
            rows_v.at[b], out_hbm.at[pl.ds((chunk0 + ch) * C, C)], osem.at[b]
        ).wait()

    for i in range(NBUF):
        gather_start(i, i)
        if i >= K:
            gather_wait(i - K, i - K)
            out_start(i - K, i - K)

    @pl.loop(NBUF, NCH, step=NBUF)
    def _main(g):
        for j in range(NBUF):
            i = g + j
            out_wait(i - NBUF, j)
            gather_start(i, j)
            gather_wait(i - K, (j - K) % NBUF)
            out_start(i - K, (j - K) % NBUF)

    for i in range(NCH, NCH + K):
        gather_wait(i - K, (i - K) % NBUF)
        out_start(i - K, (i - K) % NBUF)
    for ch in range(NCH - NBUF, NCH):
        out_wait(ch, ch % NBUF)


def kernel(x, table):
    x2d = x.reshape(NW * NCH, C).astype(jnp.int32)
    out = _embed_gather(x2d, table)
    return out.reshape(BATCH, HIST, EMBED_DIM)

# --- scband reference (transcript-rebuilt; emitter-appended) ---
"""Pipeline reference for scband-text-embedding-2413771620635 (READ-ONLY COPY).

The authoritative reference and input builder live on the scoring server;
editing this copy changes nothing except your own understanding.
"""

import jax, jax.numpy as jnp
import numpy as np

VOCAB = 1000000
EMBED_DIM = 64
BATCH = 16384
HIST = 50

def setup_inputs(seed: int = 0) -> dict:
    key = jax.random.key(seed)
    k_idx, k_tab = jax.random.split(key)
    x = jax.random.randint(k_idx, (BATCH, HIST), 0, VOCAB, dtype=jnp.int64 if jax.config.jax_enable_x64 else jnp.int32)
    table = jax.random.normal(k_tab, (VOCAB, EMBED_DIM), dtype=jnp.float32)
    return {"x": x, "table": table}

def reference(x, table):
    # nn.Embedding forward: row gather from the embedding table
    return jnp.take(table, x, axis=0)

if __name__ == "__main__":
    import jax
    _d = setup_inputs()
    print(jax.jit(kernel)(*tuple(_d.values())))

</pallas_src>

<mosaic_0001>
#map = affine_map<(d0, d1) -> (0, 0)>
module attributes {stable_mosaic.version = 14 : i64} {
  func.func @_embed_gather(%arg0: i32, %arg1: i32, %arg2: memref<3200x256xi32, #tpu.memory_space<hbm>>, %arg3: memref<1000000x64xf32, #tpu.memory_space<hbm>>, %arg4: memref<819200x64xf32, #tpu.memory_space<hbm>>, %arg5: memref<100x256xi32, #tpu.memory_space<vmem>>, %arg6: memref<5x256x64xf32, #tpu.memory_space<vmem>>, %arg7: memref<5x!tpu.dma_semaphore, #tpu.memory_space<semaphore_mem>>, %arg8: memref<5x!tpu.dma_semaphore, #tpu.memory_space<semaphore_mem>>) attributes {dimension_semantics = [#tpu.dimension_semantics<core_parallel>, #tpu.dimension_semantics<subcore_parallel>], iteration_bounds = array<i64: 2, 16>, scalar_prefetch = 0 : i64, scratch_operands = 4 : i64, tpu.core_type = #tpu.core_type<sc_vector_subcore>, window_params = [{transform_indices = #map}, {transform_indices = #map}, {transform_indices = #map}]} {
    %mul3A = arith.constant 2 : i32
    %mul3A_0 = arith.muli %arg1, %mul3A : i32
    %add3A = arith.addi %mul3A_0, %arg0 : i32
    %mul3A_1 = arith.constant 100 : i32
    %mul3A_2 = arith.muli %add3A, %mul3A_1 : i32
    "tpu.region"() ({
      %run_scoped3A = tpu.sem_alloc : memref<!tpu.dma_semaphore, #tpu.memory_space<semaphore_mem>>
      %dma_start3A_355 = arith.constant 0 : i32
      %dma_start3A_356 = tpu.memref_slice %arg2[%mul3A_2, %dma_start3A_355] : memref<3200x256xi32, #tpu.memory_space<hbm>> -> memref<100x256xi32, #tpu.memory_space<hbm>>
      %dma_start3A_357 = arith.constant 0 : i32
      %dma_start3A_358 = tpu.memref_slice %arg2[%mul3A_2, %dma_start3A_357] : memref<3200x256xi32, #tpu.memory_space<hbm>> -> memref<100x256xi32, #tpu.memory_space<hbm>>
      tpu.enqueue_dma source(%dma_start3A_358 : memref<100x256xi32, #tpu.memory_space<hbm>>) target(%arg5 : memref<100x256xi32, #tpu.memory_space<vmem>>) target_semaphore(%run_scoped3A : memref<!tpu.dma_semaphore, #tpu.memory_space<semaphore_mem>>)
      %dma_wait3A_359 = arith.constant 0 : i32
      %dma_wait3A_360 = tpu.memref_slice %arg2[%mul3A_2, %dma_wait3A_359] : memref<3200x256xi32, #tpu.memory_space<hbm>> -> memref<100x256xi32, #tpu.memory_space<hbm>>
      %dma_wait3A_361 = arith.constant 0 : i32
      %dma_wait3A_362 = tpu.memref_slice %arg2[%mul3A_2, %dma_wait3A_361] : memref<3200x256xi32, #tpu.memory_space<hbm>> -> memref<100x256xi32, #tpu.memory_space<hbm>>
      tpu.wait_dma2 semaphore(%run_scoped3A : memref<!tpu.dma_semaphore, #tpu.memory_space<semaphore_mem>>) src(%dma_wait3A_362 : memref<100x256xi32, #tpu.memory_space<hbm>>) dst(%arg5 : memref<100x256xi32, #tpu.memory_space<vmem>>)
      tpu.yield
    }) : () -> ()
    %dma_start3A = arith.constant 0 : i32
    %dma_start3A_3 = arith.constant 0 : i32
    %dma_start3A_4 = arith.constant 0 : i32
    %dma_start3A_5 = arith.constant 0 : i32
    %dma_start3A_6 = arith.constant 0 : i32
    %dma_start3A_7 = tpu.memref_slice %arg6[%dma_start3A_3, %dma_start3A_5, %dma_start3A_6] : memref<5x256x64xf32, #tpu.memory_space<vmem>> -> memref<1x256x64xf32, #tpu.memory_space<vmem>>
    %dma_start3A_8 = tpu.memref_squeeze %dma_start3A_7 : memref<1x256x64xf32, #tpu.memory_space<vmem>> -> memref<256x64xf32, #tpu.memory_space<vmem>>
    %dma_start3A_9 = arith.constant 0 : i32
    %dma_start3A_10 = tpu.memref_slice %arg5[%dma_start3A, %dma_start3A_9] : memref<100x256xi32, #tpu.memory_space<vmem>> -> memref<1x256xi32, #tpu.memory_space<vmem>>
    %dma_start3A_11 = tpu.memref_squeeze %dma_start3A_10 : memref<1x256xi32, #tpu.memory_space<vmem>> -> memref<256xi32, #tpu.memory_space<vmem>>
    %dma_start3A_12 = arith.constant 0 : i32
    %dma_start3A_13 = arith.constant 0 : i32
    %dma_start3A_14 = tpu.memref_slice %arg3[%dma_start3A_12, %dma_start3A_13] : memref<1000000x64xf32, #tpu.memory_space<hbm>> -> memref<1000000x64xf32, #tpu.memory_space<hbm>>
    %dma_start3A_15 = tpu.memref_slice %arg7[%dma_start3A_4] : memref<5x!tpu.dma_semaphore, #tpu.memory_space<semaphore_mem>> -> memref<1x!tpu.dma_semaphore, #tpu.memory_space<semaphore_mem>>
    %dma_start3A_16 = tpu.memref_squeeze %dma_start3A_15 : memref<1x!tpu.dma_semaphore, #tpu.memory_space<semaphore_mem>> -> memref<!tpu.dma_semaphore, #tpu.memory_space<semaphore_mem>>
    tpu.enqueue_indirect_dma source(%dma_start3A_14 : memref<1000000x64xf32, #tpu.memory_space<hbm>>) target(%dma_start3A_8 : memref<256x64xf32, #tpu.memory_space<vmem>>) offsets(%dma_start3A_11 : memref<256xi32, #tpu.memory_space<vmem>>) semaphore(%dma_start3A_16 : memref<!tpu.dma_semaphore, #tpu.memory_space<semaphore_mem>>)
    %dma_start3A_17 = arith.constant 1 : i32
    %dma_start3A_18 = arith.constant 1 : i32
    %dma_start3A_19 = arith.constant 1 : i32
    %dma_start3A_20 = arith.constant 0 : i32
    %dma_start3A_21 = arith.constant 0 : i32
    %dma_start3A_22 = tpu.memref_slice %arg6[%dma_start3A_18, %dma_start3A_20, %dma_start3A_21] : memref<5x256x64xf32, #tpu.memory_space<vmem>> -> memref<1x256x64xf32, #tpu.memory_space<vmem>>
    %dma_start3A_23 = tpu.memref_squeeze %dma_start3A_22 : memref<1x256x64xf32, #tpu.memory_space<vmem>> -> memref<256x64xf32, #tpu.memory_space<vmem>>
    %dma_start3A_24 = arith.constant 0 : i32
    %dma_start3A_25 = tpu.memref_slice %arg5[%dma_start3A_17, %dma_start3A_24] : memref<100x256xi32, #tpu.memory_space<vmem>> -> memref<1x256xi32, #tpu.memory_space<vmem>>
    %dma_start3A_26 = tpu.memref_squeeze %dma_start3A_25 : memref<1x256xi32, #tpu.memory_space<vmem>> -> memref<256xi32, #tpu.memory_space<vmem>>
    %dma_start3A_27 = arith.constant 0 : i32
    %dma_start3A_28 = arith.constant 0 : i32
    %dma_start3A_29 = tpu.memref_slice %arg3[%dma_start3A_27, %dma_start3A_28] : memref<1000000x64xf32, #tpu.memory_space<hbm>> -> memref<1000000x64xf32, #tpu.memory_space<hbm>>
    %dma_start3A_30 = tpu.memref_slice %arg7[%dma_start3A_19] : memref<5x!tpu.dma_semaphore, #tpu.memory_space<semaphore_mem>> -> memref<1x!tpu.dma_semaphore, #tpu.memory_space<semaphore_mem>>
    %dma_start3A_31 = tpu.memref_squeeze %dma_start3A_30 : memref<1x!tpu.dma_semaphore, #tpu.memory_space<semaphore_mem>> -> memref<!tpu.dma_semaphore, #tpu.memory_space<semaphore_mem>>
    tpu.enqueue_indirect_dma source(%dma_start3A_29 : memref<1000000x64xf32, #tpu.memory_space<hbm>>) target(%dma_start3A_23 : memref<256x64xf32, #tpu.memory_space<vmem>>) offsets(%dma_start3A_26 : memref<256xi32, #tpu.memory_space<vmem>>) semaphore(%dma_start3A_31 : memref<!tpu.dma_semaphore, #tpu.memory_space<semaphore_mem>>)
    %dma_start3A_32 = arith.constant 2 : i32
    %dma_start3A_33 = arith.constant 2 : i32
    %dma_start3A_34 = arith.constant 2 : i32
    %dma_start3A_35 = arith.constant 0 : i32
    %dma_start3A_36 = arith.constant 0 : i32
    %dma_start3A_37 = tpu.memref_slice %arg6[%dma_start3A_33, %dma_start3A_35, %dma_start3A_36] : memref<5x256x64xf32, #tpu.memory_space<vmem>> -> memref<1x256x64xf32, #tpu.memory_space<vmem>>
    %dma_start3A_38 = tpu.memref_squeeze %dma_start3A_37 : memref<1x256x64xf32, #tpu.memory_space<vmem>> -> memref<256x64xf32, #tpu.memory_space<vmem>>
    %dma_start3A_39 = arith.constant 0 : i32
    %dma_start3A_40 = tpu.memref_slice %arg5[%dma_start3A_32, %dma_start3A_39] : memref<100x256xi32, #tpu.memory_space<vmem>> -> memref<1x256xi32, #tpu.memory_space<vmem>>
    %dma_start3A_41 = tpu.memref_squeeze %dma_start3A_40 : memref<1x256xi32, #tpu.memory_space<vmem>> -> memref<256xi32, #tpu.memory_space<vmem>>
    %dma_start3A_42 = arith.constant 0 : i32
    %dma_start3A_43 = arith.constant 0 : i32
    %dma_start3A_44 = tpu.memref_slice %arg3[%dma_start3A_42, %dma_start3A_43] : memref<1000000x64xf32, #tpu.memory_space<hbm>> -> memref<1000000x64xf32, #tpu.memory_space<hbm>>
    %dma_start3A_45 = tpu.memref_slice %arg7[%dma_start3A_34] : memref<5x!tpu.dma_semaphore, #tpu.memory_space<semaphore_mem>> -> memref<1x!tpu.dma_semaphore, #tpu.memory_space<semaphore_mem>>
    %dma_start3A_46 = tpu.memref_squeeze %dma_start3A_45 : memref<1x!tpu.dma_semaphore, #tpu.memory_space<semaphore_mem>> -> memref<!tpu.dma_semaphore, #tpu.memory_space<semaphore_mem>>
    tpu.enqueue_indirect_dma source(%dma_start3A_44 : memref<1000000x64xf32, #tpu.memory_space<hbm>>) target(%dma_start3A_38 : memref<256x64xf32, #tpu.memory_space<vmem>>) offsets(%dma_start3A_41 : memref<256xi32, #tpu.memory_space<vmem>>) semaphore(%dma_start3A_46 : memref<!tpu.dma_semaphore, #tpu.memory_space<semaphore_mem>>)
    %dma_start3A_47 = arith.constant 3 : i32
    %dma_start3A_48 = arith.constant 3 : i32
    %dma_start3A_49 = arith.constant 3 : i32
    %dma_start3A_50 = arith.constant 0 : i32
    %dma_start3A_51 = arith.constant 0 : i32
    %dma_start3A_52 = tpu.memref_slice %arg6[%dma_start3A_48, %dma_start3A_50, %dma_start3A_51] : memref<5x256x64xf32, #tpu.memory_space<vmem>> -> memref<1x256x64xf32, #tpu.memory_space<vmem>>
    %dma_start3A_53 = tpu.memref_squeeze %dma_start3A_52 : memref<1x256x64xf32, #tpu.memory_space<vmem>> -> memref<256x64xf32, #tpu.memory_space<vmem>>
    %dma_start3A_54 = arith.constant 0 : i32
    %dma_start3A_55 = tpu.memref_slice %arg5[%dma_start3A_47, %dma_start3A_54] : memref<100x256xi32, #tpu.memory_space<vmem>> -> memref<1x256xi32, #tpu.memory_space<vmem>>
    %dma_start3A_56 = tpu.memref_squeeze %dma_start3A_55 : memref<1x256xi32, #tpu.memory_space<vmem>> -> memref<256xi32, #tpu.memory_space<vmem>>
    %dma_start3A_57 = arith.constant 0 : i32
    %dma_start3A_58 = arith.constant 0 : i32
    %dma_start3A_59 = tpu.memref_slice %arg3[%dma_start3A_57, %dma_start3A_58] : memref<1000000x64xf32, #tpu.memory_space<hbm>> -> memref<1000000x64xf32, #tpu.memory_space<hbm>>
    %dma_start3A_60 = tpu.memref_slice %arg7[%dma_start3A_49] : memref<5x!tpu.dma_semaphore, #tpu.memory_space<semaphore_mem>> -> memref<1x!tpu.dma_semaphore, #tpu.memory_space<semaphore_mem>>
    %dma_start3A_61 = tpu.memref_squeeze %dma_start3A_60 : memref<1x!tpu.dma_semaphore, #tpu.memory_space<semaphore_mem>> -> memref<!tpu.dma_semaphore, #tpu.memory_space<semaphore_mem>>
    tpu.enqueue_indirect_dma source(%dma_start3A_59 : memref<1000000x64xf32, #tpu.memory_space<hbm>>) target(%dma_start3A_53 : memref<256x64xf32, #tpu.memory_space<vmem>>) offsets(%dma_start3A_56 : memref<256xi32, #tpu.memory_space<vmem>>) semaphore(%dma_start3A_61 : memref<!tpu.dma_semaphore, #tpu.memory_space<semaphore_mem>>)
    %dma_wait3A = arith.constant 0 : i32
    %dma_wait3A_62 = arith.constant 0 : i32
    %dma_wait3A_63 = arith.constant 0 : i32
    %dma_wait3A_64 = arith.constant 0 : i32
    %dma_wait3A_65 = arith.constant 0 : i32
    %dma_wait3A_66 = tpu.memref_slice %arg6[%dma_wait3A_62, %dma_wait3A_64, %dma_wait3A_65] : memref<5x256x64xf32, #tpu.memory_space<vmem>> -> memref<1x256x64xf32, #tpu.memory_space<vmem>>
    %dma_wait3A_67 = tpu.memref_squeeze %dma_wait3A_66 : memref<1x256x64xf32, #tpu.memory_space<vmem>> -> memref<256x64xf32, #tpu.memory_space<vmem>>
    %dma_wait3A_68 = arith.constant 0 : i32
    %dma_wait3A_69 = tpu.memref_slice %arg5[%dma_wait3A, %dma_wait3A_68] : memref<100x256xi32, #tpu.memory_space<vmem>> -> memref<1x256xi32, #tpu.memory_space<vmem>>
    %dma_wait3A_70 = tpu.memref_squeeze %dma_wait3A_69 : memref<1x256xi32, #tpu.memory_space<vmem>> -> memref<256xi32, #tpu.memory_space<vmem>>
    %dma_wait3A_71 = arith.constant 0 : i32
    %dma_wait3A_72 = arith.constant 0 : i32
    %dma_wait3A_73 = tpu.memref_slice %arg3[%dma_wait3A_71, %dma_wait3A_72] : memref<1000000x64xf32, #tpu.memory_space<hbm>> -> memref<1000000x64xf32, #tpu.memory_space<hbm>>
    %dma_wait3A_74 = tpu.memref_slice %arg7[%dma_wait3A_63] : memref<5x!tpu.dma_semaphore, #tpu.memory_space<semaphore_mem>> -> memref<1x!tpu.dma_semaphore, #tpu.memory_space<semaphore_mem>>
    %dma_wait3A_75 = tpu.memref_squeeze %dma_wait3A_74 : memref<1x!tpu.dma_semaphore, #tpu.memory_space<semaphore_mem>> -> memref<!tpu.dma_semaphore, #tpu.memory_space<semaphore_mem>>
    tpu.wait_indirect_dma semaphore(%dma_wait3A_75 : memref<!tpu.dma_semaphore, #tpu.memory_space<semaphore_mem>>) src(%dma_wait3A_73 : memref<1000000x64xf32, #tpu.memory_space<hbm>>) dst(%dma_wait3A_67 : memref<256x64xf32, #tpu.memory_space<vmem>>)
    %add3A_76 = arith.constant 0 : i32
    %add3A_77 = arith.addi %mul3A_2, %add3A_76 : i32
    %mul3A_78 = arith.constant 256 : i32
    %mul3A_79 = arith.muli %add3A_77, %mul3A_78 : i32
    %dma_start3A_80 = arith.constant 0 : i32
    %dma_start3A_81 = arith.constant 0 : i32
    %dma_start3A_82 = arith.constant 0 : i32
    %dma_start3A_83 = arith.constant 0 : i32
    %dma_start3A_84 = tpu.memref_slice %arg6[%dma_start3A_80, %dma_start3A_82, %dma_start3A_83] : memref<5x256x64xf32, #tpu.memory_space<vmem>> -> memref<1x256x64xf32, #tpu.memory_space<vmem>>
    %dma_start3A_85 = tpu.memref_squeeze %dma_start3A_84 : memref<1x256x64xf32, #tpu.memory_space<vmem>> -> memref<256x64xf32, #tpu.memory_space<vmem>>
    %dma_start3A_86 = arith.constant 0 : i32
    %dma_start3A_87 = tpu.memref_slice %arg4[%mul3A_79, %dma_start3A_86] : memref<819200x64xf32, #tpu.memory_space<hbm>> -> memref<256x64xf32, #tpu.memory_space<hbm>>
    %dma_start3A_88 = tpu.memref_slice %arg8[%dma_start3A_81] : memref<5x!tpu.dma_semaphore, #tpu.memory_space<semaphore_mem>> -> memref<1x!tpu.dma_semaphore, #tpu.memory_space<semaphore_mem>>
    %dma_start3A_89 = tpu.memref_squeeze %dma_start3A_88 : memref<1x!tpu.dma_semaphore, #tpu.memory_space<semaphore_mem>> -> memref<!tpu.dma_semaphore, #tpu.memory_space<semaphore_mem>>
    %dma_start3A_90 = arith.constant 0 : i32
    %dma_start3A_91 = tpu.memref_slice %arg4[%mul3A_79, %dma_start3A_90] : memref<819200x64xf32, #tpu.memory_space<hbm>> -> memref<256x64xf32, #tpu.memory_space<hbm>>
    %dma_start3A_92 = arith.constant 0 : i32
    %dma_start3A_93 = arith.constant 0 : i32
    %dma_start3A_94 = tpu.memref_slice %arg6[%dma_start3A_80, %dma_start3A_92, %dma_start3A_93] : memref<5x256x64xf32, #tpu.memory_space<vmem>> -> memref<1x256x64xf32, #tpu.memory_space<vmem>>
    %dma_start3A_95 = tpu.memref_squeeze %dma_start3A_94 : memref<1x256x64xf32, #tpu.memory_space<vmem>> -> memref<256x64xf32, #tpu.memory_space<vmem>>
    tpu.enqueue_dma source(%dma_start3A_95 : memref<256x64xf32, #tpu.memory_space<vmem>>) target(%dma_start3A_91 : memref<256x64xf32, #tpu.memory_space<hbm>>) target_semaphore(%dma_start3A_89 : memref<!tpu.dma_semaphore, #tpu.memory_space<semaphore_mem>>)
    %dma_start3A_96 = arith.constant 4 : i32
    %dma_start3A_97 = arith.constant 4 : i32
    %dma_start3A_98 = arith.constant 4 : i32
    %dma_start3A_99 = arith.constant 0 : i32
    %dma_start3A_100 = arith.constant 0 : i32
    %dma_start3A_101 = tpu.memref_slice %arg6[%dma_start3A_97, %dma_start3A_99, %dma_start3A_100] : memref<5x256x64xf32, #tpu.memory_space<vmem>> -> memref<1x256x64xf32, #tpu.memory_space<vmem>>
    %dma_start3A_102 = tpu.memref_squeeze %dma_start3A_101 : memref<1x256x64xf32, #tpu.memory_space<vmem>> -> memref<256x64xf32, #tpu.memory_space<vmem>>
    %dma_start3A_103 = arith.constant 0 : i32
    %dma_start3A_104 = tpu.memref_slice %arg5[%dma_start3A_96, %dma_start3A_103] : memref<100x256xi32, #tpu.memory_space<vmem>> -> memref<1x256xi32, #tpu.memory_space<vmem>>
    %dma_start3A_105 = tpu.memref_squeeze %dma_start3A_104 : memref<1x256xi32, #tpu.memory_space<vmem>> -> memref<256xi32, #tpu.memory_space<vmem>>
    %dma_start3A_106 = arith.constant 0 : i32
    %dma_start3A_107 = arith.constant 0 : i32
    %dma_start3A_108 = tpu.memref_slice %arg3[%dma_start3A_106, %dma_start3A_107] : memref<1000000x64xf32, #tpu.memory_space<hbm>> -> memref<1000000x64xf32, #tpu.memory_space<hbm>>
    %dma_start3A_109 = tpu.memref_slice %arg7[%dma_start3A_98] : memref<5x!tpu.dma_semaphore, #tpu.memory_space<semaphore_mem>> -> memref<1x!tpu.dma_semaphore, #tpu.memory_space<semaphore_mem>>
    %dma_start3A_110 = tpu.memref_squeeze %dma_start3A_109 : memref<1x!tpu.dma_semaphore, #tpu.memory_space<semaphore_mem>> -> memref<!tpu.dma_semaphore, #tpu.memory_space<semaphore_mem>>
    tpu.enqueue_indirect_dma source(%dma_start3A_108 : memref<1000000x64xf32, #tpu.memory_space<hbm>>) target(%dma_start3A_102 : memref<256x64xf32, #tpu.memory_space<vmem>>) offsets(%dma_start3A_105 : memref<256xi32, #tpu.memory_space<vmem>>) semaphore(%dma_start3A_110 : memref<!tpu.dma_semaphore, #tpu.memory_space<semaphore_mem>>)
    %dma_wait3A_111 = arith.constant 1 : i32
    %dma_wait3A_112 = arith.constant 1 : i32
    %dma_wait3A_113 = arith.constant 1 : i32
    %dma_wait3A_114 = arith.constant 0 : i32
    %dma_wait3A_115 = arith.constant 0 : i32
    %dma_wait3A_116 = tpu.memref_slice %arg6[%dma_wait3A_112, %dma_wait3A_114, %dma_wait3A_115] : memref<5x256x64xf32, #tpu.memory_space<vmem>> -> memref<1x256x64xf32, #tpu.memory_space<vmem>>
    %dma_wait3A_117 = tpu.memref_squeeze %dma_wait3A_116 : memref<1x256x64xf32, #tpu.memory_space<vmem>> -> memref<256x64xf32, #tpu.memory_space<vmem>>
    %dma_wait3A_118 = arith.constant 0 : i32
    %dma_wait3A_119 = tpu.memref_slice %arg5[%dma_wait3A_111, %dma_wait3A_118] : memref<100x256xi32, #tpu.memory_space<vmem>> -> memref<1x256xi32, #tpu.memory_space<vmem>>
    %dma_wait3A_120 = tpu.memref_squeeze %dma_wait3A_119 : memref<1x256xi32, #tpu.memory_space<vmem>> -> memref<256xi32, #tpu.memory_space<vmem>>
    %dma_wait3A_121 = arith.constant 0 : i32
    %dma_wait3A_122 = arith.constant 0 : i32
    %dma_wait3A_123 = tpu.memref_slice %arg3[%dma_wait3A_121, %dma_wait3A_122] : memref<1000000x64xf32, #tpu.memory_space<hbm>> -> memref<1000000x64xf32, #tpu.memory_space<hbm>>
    %dma_wait3A_124 = tpu.memref_slice %arg7[%dma_wait3A_113] : memref<5x!tpu.dma_semaphore, #tpu.memory_space<semaphore_mem>> -> memref<1x!tpu.dma_semaphore, #tpu.memory_space<semaphore_mem>>
    %dma_wait3A_125 = tpu.memref_squeeze %dma_wait3A_124 : memref<1x!tpu.dma_semaphore, #tpu.memory_space<semaphore_mem>> -> memref<!tpu.dma_semaphore, #tpu.memory_space<semaphore_mem>>
    tpu.wait_indirect_dma semaphore(%dma_wait3A_125 : memref<!tpu.dma_semaphore, #tpu.memory_space<semaphore_mem>>) src(%dma_wait3A_123 : memref<1000000x64xf32, #tpu.memory_space<hbm>>) dst(%dma_wait3A_117 : memref<256x64xf32, #tpu.memory_space<vmem>>)
    %add3A_126 = arith.constant 1 : i32
    %add3A_127 = arith.addi %mul3A_2, %add3A_126 : i32
    %mul3A_128 = arith.constant 256 : i32
    %mul3A_129 = arith.muli %add3A_127, %mul3A_128 : i32
    %dma_start3A_130 = arith.constant 1 : i32
    %dma_start3A_131 = arith.constant 1 : i32
    %dma_start3A_132 = arith.constant 0 : i32
    %dma_start3A_133 = arith.constant 0 : i32
    %dma_start3A_134 = tpu.memref_slice %arg6[%dma_start3A_130, %dma_start3A_132, %dma_start3A_133] : memref<5x256x64xf32, #tpu.memory_space<vmem>> -> memref<1x256x64xf32, #tpu.memory_space<vmem>>
    %dma_start3A_135 = tpu.memref_squeeze %dma_start3A_134 : memref<1x256x64xf32, #tpu.memory_space<vmem>> -> memref<256x64xf32, #tpu.memory_space<vmem>>
    %dma_start3A_136 = arith.constant 0 : i32
    %dma_start3A_137 = tpu.memref_slice %arg4[%mul3A_129, %dma_start3A_136] : memref<819200x64xf32, #tpu.memory_space<hbm>> -> memref<256x64xf32, #tpu.memory_space<hbm>>
    %dma_start3A_138 = tpu.memref_slice %arg8[%dma_start3A_131] : memref<5x!tpu.dma_semaphore, #tpu.memory_space<semaphore_mem>> -> memref<1x!tpu.dma_semaphore, #tpu.memory_space<semaphore_mem>>
    %dma_start3A_139 = tpu.memref_squeeze %dma_start3A_138 : memref<1x!tpu.dma_semaphore, #tpu.memory_space<semaphore_mem>> -> memref<!tpu.dma_semaphore, #tpu.memory_space<semaphore_mem>>
    %dma_start3A_140 = arith.constant 0 : i32
    %dma_start3A_141 = tpu.memref_slice %arg4[%mul3A_129, %dma_start3A_140] : memref<819200x64xf32, #tpu.memory_space<hbm>> -> memref<256x64xf32, #tpu.memory_space<hbm>>
    %dma_start3A_142 = arith.constant 0 : i32
    %dma_start3A_143 = arith.constant 0 : i32
    %dma_start3A_144 = tpu.memref_slice %arg6[%dma_start3A_130, %dma_start3A_142, %dma_start3A_143] : memref<5x256x64xf32, #tpu.memory_space<vmem>> -> memref<1x256x64xf32, #tpu.memory_space<vmem>>
    %dma_start3A_145 = tpu.memref_squeeze %dma_start3A_144 : memref<1x256x64xf32, #tpu.memory_space<vmem>> -> memref<256x64xf32, #tpu.memory_space<vmem>>
    tpu.enqueue_dma source(%dma_start3A_145 : memref<256x64xf32, #tpu.memory_space<vmem>>) target(%dma_start3A_141 : memref<256x64xf32, #tpu.memory_space<hbm>>) target_semaphore(%dma_start3A_139 : memref<!tpu.dma_semaphore, #tpu.memory_space<semaphore_mem>>)
    %scan3A = arith.constant 0 : i32
    %scan3A_146 = arith.constant 19 : i32
    %scan3A_147 = arith.addi %scan3A, %scan3A_146 : i32
    %scan3A_148 = arith.constant 1 : i32
    scf.for %scan3A_355 = %scan3A to %scan3A_147 step %scan3A_148  : i32 {
      %mul3A_356 = arith.constant 5 : i32
      %mul3A_357 = arith.muli %scan3A_355, %mul3A_356 : i32
      %add3A_358 = arith.constant 5 : i32
      %add3A_359 = arith.addi %add3A_358, %mul3A_357 : i32
      %add3A_360 = arith.constant 0 : i32
      %add3A_361 = arith.addi %add3A_359, %add3A_360 : i32
      %sub3A = arith.constant 5 : i32
      %sub3A_362 = arith.subi %add3A_361, %sub3A : i32
      %add3A_363 = arith.addi %mul3A_2, %sub3A_362 : i32
      %mul3A_364 = arith.constant 256 : i32
      %mul3A_365 = arith.muli %add3A_363, %mul3A_364 : i32
      %dma_wait3A_366 = arith.constant 0 : i32
      %dma_wait3A_367 = arith.constant 0 : i32
      %dma_wait3A_368 = arith.constant 0 : i32
      %dma_wait3A_369 = arith.constant 0 : i32
      %dma_wait3A_370 = tpu.memref_slice %arg6[%dma_wait3A_366, %dma_wait3A_368, %dma_wait3A_369] : memref<5x256x64xf32, #tpu.memory_space<vmem>> -> memref<1x256x64xf32, #tpu.memory_space<vmem>>
      %dma_wait3A_371 = tpu.memref_squeeze %dma_wait3A_370 : memref<1x256x64xf32, #tpu.memory_space<vmem>> -> memref<256x64xf32, #tpu.memory_space<vmem>>
      %dma_wait3A_372 = arith.constant 0 : i32
      %dma_wait3A_373 = tpu.memref_slice %arg4[%mul3A_365, %dma_wait3A_372] : memref<819200x64xf32, #tpu.memory_space<hbm>> -> memref<256x64xf32, #tpu.memory_space<hbm>>
      %dma_wait3A_374 = tpu.memref_slice %arg8[%dma_wait3A_367] : memref<5x!tpu.dma_semaphore, #tpu.memory_space<semaphore_mem>> -> memref<1x!tpu.dma_semaphore, #tpu.memory_space<semaphore_mem>>
      %dma_wait3A_375 = tpu.memref_squeeze %dma_wait3A_374 : memref<1x!tpu.dma_semaphore, #tpu.memory_space<semaphore_mem>> -> memref<!tpu.dma_semaphore, #tpu.memory_space<semaphore_mem>>
      %dma_wait3A_376 = arith.constant 0 : i32
      %dma_wait3A_377 = tpu.memref_slice %arg4[%mul3A_365, %dma_wait3A_376] : memref<819200x64xf32, #tpu.memory_space<hbm>> -> memref<256x64xf32, #tpu.memory_space<hbm>>
      %dma_wait3A_378 = arith.constant 0 : i32
      %dma_wait3A_379 = arith.constant 0 : i32
      %dma_wait3A_380 = tpu.memref_slice %arg6[%dma_wait3A_366, %dma_wait3A_378, %dma_wait3A_379] : memref<5x256x64xf32, #tpu.memory_space<vmem>> -> memref<1x256x64xf32, #tpu.memory_space<vmem>>
      %dma_wait3A_381 = tpu.memref_squeeze %dma_wait3A_380 : memref<1x256x64xf32, #tpu.memory_space<vmem>> -> memref<256x64xf32, #tpu.memory_space<vmem>>
      tpu.wait_dma2 semaphore(%dma_wait3A_375 : memref<!tpu.dma_semaphore, #tpu.memory_space<semaphore_mem>>) src(%dma_wait3A_381 : memref<256x64xf32, #tpu.memory_space<vmem>>) dst(%dma_wait3A_377 : memref<256x64xf32, #tpu.memory_space<hbm>>)
      %dma_start3A_382 = arith.constant 0 : i32
      %dma_start3A_383 = arith.constant 0 : i32
      %dma_start3A_384 = arith.constant 0 : i32
      %dma_start3A_385 = arith.constant 0 : i32
      %dma_start3A_386 = tpu.memref_slice %arg6[%dma_start3A_382, %dma_start3A_384, %dma_start3A_385] : memref<5x256x64xf32, #tpu.memory_space<vmem>> -> memref<1x256x64xf32, #tpu.memory_space<vmem>>
      %dma_start3A_387 = tpu.memref_squeeze %dma_start3A_386 : memref<1x256x64xf32, #tpu.memory_space<vmem>> -> memref<256x64xf32, #tpu.memory_space<vmem>>
      %dma_start3A_388 = arith.constant 0 : i32
      %dma_start3A_389 = tpu.memref_slice %arg5[%add3A_361, %dma_start3A_388] : memref<100x256xi32, #tpu.memory_space<vmem>> -> memref<1x256xi32, #tpu.memory_space<vmem>>
      %dma_start3A_390 = tpu.memref_squeeze %dma_start3A_389 : memref<1x256xi32, #tpu.memory_space<vmem>> -> memref<256xi32, #tpu.memory_space<vmem>>
      %dma_start3A_391 = arith.constant 0 : i32
      %dma_start3A_392 = arith.constant 0 : i32
      %dma_start3A_393 = tpu.memref_slice %arg3[%dma_start3A_391, %dma_start3A_392] : memref<1000000x64xf32, #tpu.memory_space<hbm>> -> memref<1000000x64xf32, #tpu.memory_space<hbm>>
      %dma_start3A_394 = tpu.memref_slice %arg7[%dma_start3A_383] : memref<5x!tpu.dma_semaphore, #tpu.memory_space<semaphore_mem>> -> memref<1x!tpu.dma_semaphore, #tpu.memory_space<semaphore_mem>>
      %dma_start3A_395 = tpu.memref_squeeze %dma_start3A_394 : memref<1x!tpu.dma_semaphore, #tpu.memory_space<semaphore_mem>> -> memref<!tpu.dma_semaphore, #tpu.memory_space<semaphore_mem>>
      tpu.enqueue_indirect_dma source(%dma_start3A_393 : memref<1000000x64xf32, #tpu.memory_space<hbm>>) target(%dma_start3A_387 : memref<256x64xf32, #tpu.memory_space<vmem>>) offsets(%dma_start3A_390 : memref<256xi32, #tpu.memory_space<vmem>>) semaphore(%dma_start3A_395 : memref<!tpu.dma_semaphore, #tpu.memory_space<semaphore_mem>>)
      %sub3A_396 = arith.constant 3 : i32
      %sub3A_397 = arith.subi %add3A_361, %sub3A_396 : i32
      %dma_wait3A_398 = arith.constant 2 : i32
      %dma_wait3A_399 = arith.constant 2 : i32
      %dma_wait3A_400 = arith.constant 0 : i32
      %dma_wait3A_401 = arith.constant 0 : i32
      %dma_wait3A_402 = tpu.memref_slice %arg6[%dma_wait3A_398, %dma_wait3A_400, %dma_wait3A_401] : memref<5x256x64xf32, #tpu.memory_space<vmem>> -> memref<1x256x64xf32, #tpu.memory_space<vmem>>
      %dma_wait3A_403 = tpu.memref_squeeze %dma_wait3A_402 : memref<1x256x64xf32, #tpu.memory_space<vmem>> -> memref<256x64xf32, #tpu.memory_space<vmem>>
      %dma_wait3A_404 = arith.constant 0 : i32
      %dma_wait3A_405 = tpu.memref_slice %arg5[%sub3A_397, %dma_wait3A_404] : memref<100x256xi32, #tpu.memory_space<vmem>> -> memref<1x256xi32, #tpu.memory_space<vmem>>
      %dma_wait3A_406 = tpu.memref_squeeze %dma_wait3A_405 : memref<1x256xi32, #tpu.memory_space<vmem>> -> memref<256xi32, #tpu.memory_space<vmem>>
      %dma_wait3A_407 = arith.constant 0 : i32
      %dma_wait3A_408 = arith.constant 0 : i32
      %dma_wait3A_409 = tpu.memref_slice %arg3[%dma_wait3A_407, %dma_wait3A_408] : memref<1000000x64xf32, #tpu.memory_space<hbm>> -> memref<1000000x64xf32, #tpu.memory_space<hbm>>
      %dma_wait3A_410 = tpu.memref_slice %arg7[%dma_wait3A_399] : memref<5x!tpu.dma_semaphore, #tpu.memory_space<semaphore_mem>> -> memref<1x!tpu.dma_semaphore, #tpu.memory_space<semaphore_mem>>
      %dma_wait3A_411 = tpu.memref_squeeze %dma_wait3A_410 : memref<1x!tpu.dma_semaphore, #tpu.memory_space<semaphore_mem>> -> memref<!tpu.dma_semaphore, #tpu.memory_space<semaphore_mem>>
      tpu.wait_indirect_dma semaphore(%dma_wait3A_411 : memref<!tpu.dma_semaphore, #tpu.memory_space<semaphore_mem>>) src(%dma_wait3A_409 : memref<1000000x64xf32, #tpu.memory_space<hbm>>) dst(%dma_wait3A_403 : memref<256x64xf32, #tpu.memory_space<vmem>>)
      %sub3A_412 = arith.constant 3 : i32
      %sub3A_413 = arith.subi %add3A_361, %sub3A_412 : i32
      %add3A_414 = arith.addi %mul3A_2, %sub3A_413 : i32
      %mul3A_415 = arith.constant 256 : i32
      %mul3A_416 = arith.muli %add3A_414, %mul3A_415 : i32
      %dma_start3A_417 = arith.constant 2 : i32
      %dma_start3A_418 = arith.constant 2 : i32
      %dma_start3A_419 = arith.constant 0 : i32
      %dma_start3A_420 = arith.constant 0 : i32
      %dma_start3A_421 = tpu.memref_slice %arg6[%dma_start3A_417, %dma_start3A_419, %dma_start3A_420] : memref<5x256x64xf32, #tpu.memory_space<vmem>> -> memref<1x256x64xf32, #tpu.memory_space<vmem>>
      %dma_start3A_422 = tpu.memref_squeeze %dma_start3A_421 : memref<1x256x64xf32, #tpu.memory_space<vmem>> -> memref<256x64xf32, #tpu.memory_space<vmem>>
      %dma_start3A_423 = arith.constant 0 : i32
      %dma_start3A_424 = tpu.memref_slice %arg4[%mul3A_416, %dma_start3A_423] : memref<819200x64xf32, #tpu.memory_space<hbm>> -> memref<256x64xf32, #tpu.memory_space<hbm>>
      %dma_start3A_425 = tpu.memref_slice %arg8[%dma_start3A_418] : memref<5x!tpu.dma_semaphore, #tpu.memory_space<semaphore_mem>> -> memref<1x!tpu.dma_semaphore, #tpu.memory_space<semaphore_mem>>
      %dma_start3A_426 = tpu.memref_squeeze %dma_start3A_425 : memref<1x!tpu.dma_semaphore, #tpu.memory_space<semaphore_mem>> -> memref<!tpu.dma_semaphore, #tpu.memory_space<semaphore_mem>>
      %dma_start3A_427 = arith.constant 0 : i32
      %dma_start3A_428 = tpu.memref_slice %arg4[%mul3A_416, %dma_start3A_427] : memref<819200x64xf32, #tpu.memory_space<hbm>> -> memref<256x64xf32, #tpu.memory_space<hbm>>
      %dma_start3A_429 = arith.constant 0 : i32
      %dma_start3A_430 = arith.constant 0 : i32
      %dma_start3A_431 = tpu.memref_slice %arg6[%dma_start3A_417, %dma_start3A_429, %dma_start3A_430] : memref<5x256x64xf32, #tpu.memory_space<vmem>> -> memref<1x256x64xf32, #tpu.memory_space<vmem>>
      %dma_start3A_432 = tpu.memref_squeeze %dma_start3A_431 : memref<1x256x64xf32, #tpu.memory_space<vmem>> -> memref<256x64xf32, #tpu.memory_space<vmem>>
      tpu.enqueue_dma source(%dma_start3A_432 : memref<256x64xf32, #tpu.memory_space<vmem>>) target(%dma_start3A_428 : memref<256x64xf32, #tpu.memory_space<hbm>>) target_semaphore(%dma_start3A_426 : memref<!tpu.dma_semaphore, #tpu.memory_space<semaphore_mem>>)
      %add3A_433 = arith.constant 1 : i32
      %add3A_434 = arith.addi %add3A_359, %add3A_433 : i32
      %sub3A_435 = arith.constant 5 : i32
      %sub3A_436 = arith.subi %add3A_434, %sub3A_435 : i32
      %add3A_437 = arith.addi %mul3A_2, %sub3A_436 : i32
      %mul3A_438 = arith.constant 256 : i32
      %mul3A_439 = arith.muli %add3A_437, %mul3A_438 : i32
      %dma_wait3A_440 = arith.constant 1 : i32
      %dma_wait3A_441 = arith.constant 1 : i32
      %dma_wait3A_442 = arith.constant 0 : i32
      %dma_wait3A_443 = arith.constant 0 : i32
      %dma_wait3A_444 = tpu.memref_slice %arg6[%dma_wait3A_440, %dma_wait3A_442, %dma_wait3A_443] : memref<5x256x64xf32, #tpu.memory_space<vmem>> -> memref<1x256x64xf32, #tpu.memory_space<vmem>>
      %dma_wait3A_445 = tpu.memref_squeeze %dma_wait3A_444 : memref<1x256x64xf32, #tpu.memory_space<vmem>> -> memref<256x64xf32, #tpu.memory_space<vmem>>
      %dma_wait3A_446 = arith.constant 0 : i32
      %dma_wait3A_447 = tpu.memref_slice %arg4[%mul3A_439, %dma_wait3A_446] : memref<819200x64xf32, #tpu.memory_space<hbm>> -> memref<256x64xf32, #tpu.memory_space<hbm>>
      %dma_wait3A_448 = tpu.memref_slice %arg8[%dma_wait3A_441] : memref<5x!tpu.dma_semaphore, #tpu.memory_space<semaphore_mem>> -> memref<1x!tpu.dma_semaphore, #tpu.memory_space<semaphore_mem>>
      %dma_wait3A_449 = tpu.memref_squeeze %dma_wait3A_448 : memref<1x!tpu.dma_semaphore, #tpu.memory_space<semaphore_mem>> -> memref<!tpu.dma_semaphore, #tpu.memory_space<semaphore_mem>>
      %dma_wait3A_450 = arith.constant 0 : i32
      %dma_wait3A_451 = tpu.memref_slice %arg4[%mul3A_439, %dma_wait3A_450] : memref<819200x64xf32, #tpu.memory_space<hbm>> -> memref<256x64xf32, #tpu.memory_space<hbm>>
      %dma_wait3A_452 = arith.constant 0 : i32
      %dma_wait3A_453 = arith.constant 0 : i32
      %dma_wait3A_454 = tpu.memref_slice %arg6[%dma_wait3A_440, %dma_wait3A_452, %dma_wait3A_453] : memref<5x256x64xf32, #tpu.memory_space<vmem>> -> memref<1x256x64xf32, #tpu.memory_space<vmem>>
      %dma_wait3A_455 = tpu.memref_squeeze %dma_wait3A_454 : memref<1x256x64xf32, #tpu.memory_space<vmem>> -> memref<256x64xf32, #tpu.memory_space<vmem>>
      tpu.wait_dma2 semaphore(%dma_wait3A_449 : memref<!tpu.dma_semaphore, #tpu.memory_space<semaphore_mem>>) src(%dma_wait3A_455 : memref<256x64xf32, #tpu.memory_space<vmem>>) dst(%dma_wait3A_451 : memref<256x64xf32, #tpu.memory_space<hbm>>)
      %dma_start3A_456 = arith.constant 1 : i32
      %dma_start3A_457 = arith.constant 1 : i32
      %dma_start3A_458 = arith.constant 0 : i32
      %dma_start3A_459 = arith.constant 0 : i32
      %dma_start3A_460 = tpu.memref_slice %arg6[%dma_start3A_456, %dma_start3A_458, %dma_start3A_459] : memref<5x256x64xf32, #tpu.memory_space<vmem>> -> memref<1x256x64xf32, #tpu.memory_space<vmem>>
      %dma_start3A_461 = tpu.memref_squeeze %dma_start3A_460 : memref<1x256x64xf32, #tpu.memory_space<vmem>> -> memref<256x64xf32, #tpu.memory_space<vmem>>
      %dma_start3A_462 = arith.constant 0 : i32
      %dma_start3A_463 = tpu.memref_slice %arg5[%add3A_434, %dma_start3A_462] : memref<100x256xi32, #tpu.memory_space<vmem>> -> memref<1x256xi32, #tpu.memory_space<vmem>>
      %dma_start3A_464 = tpu.memref_squeeze %dma_start3A_463 : memref<1x256xi32, #tpu.memory_space<vmem>> -> memref<256xi32, #tpu.memory_space<vmem>>
      %dma_start3A_465 = arith.constant 0 : i32
      %dma_start3A_466 = arith.constant 0 : i32
      %dma_start3A_467 = tpu.memref_slice %arg3[%dma_start3A_465, %dma_start3A_466] : memref<1000000x64xf32, #tpu.memory_space<hbm>> -> memref<1000000x64xf32, #tpu.memory_space<hbm>>
      %dma_start3A_468 = tpu.memref_slice %arg7[%dma_start3A_457] : memref<5x!tpu.dma_semaphore, #tpu.memory_space<semaphore_mem>> -> memref<1x!tpu.dma_semaphore, #tpu.memory_space<semaphore_mem>>
      %dma_start3A_469 = tpu.memref_squeeze %dma_start3A_468 : memref<1x!tpu.dma_semaphore, #tpu.memory_space<semaphore_mem>> -> memref<!tpu.dma_semaphore, #tpu.memory_space<semaphore_mem>>
      tpu.enqueue_indirect_dma source(%dma_start3A_467 : memref<1000000x64xf32, #tpu.memory_space<hbm>>) target(%dma_start3A_461 : memref<256x64xf32, #tpu.memory_space<vmem>>) offsets(%dma_start3A_464 : memref<256xi32, #tpu.memory_space<vmem>>) semaphore(%dma_start3A_469 : memref<!tpu.dma_semaphore, #tpu.memory_space<semaphore_mem>>)
      %sub3A_470 = arith.constant 3 : i32
      %sub3A_471 = arith.subi %add3A_434, %sub3A_470 : i32
      %dma_wait3A_472 = arith.constant 3 : i32
      %dma_wait3A_473 = arith.constant 3 : i32
      %dma_wait3A_474 = arith.constant 0 : i32
      %dma_wait3A_475 = arith.constant 0 : i32
      %dma_wait3A_476 = tpu.memref_slice %arg6[%dma_wait3A_472, %dma_wait3A_474, %dma_wait3A_475] : memref<5x256x64xf32, #tpu.memory_space<vmem>> -> memref<1x256x64xf32, #tpu.memory_space<vmem>>
      %dma_wait3A_477 = tpu.memref_squeeze %dma_wait3A_476 : memref<1x256x64xf32, #tpu.memory_space<vmem>> -> memref<256x64xf32, #tpu.memory_space<vmem>>
      %dma_wait3A_478 = arith.constant 0 : i32
      %dma_wait3A_479 = tpu.memref_slice %arg5[%sub3A_471, %dma_wait3A_478] : memref<100x256xi32, #tpu.memory_space<vmem>> -> memref<1x256xi32, #tpu.memory_space<vmem>>
      %dma_wait3A_480 = tpu.memref_squeeze %dma_wait3A_479 : memref<1x256xi32, #tpu.memory_space<vmem>> -> memref<256xi32, #tpu.memory_space<vmem>>
      %dma_wait3A_481 = arith.constant 0 : i32
      %dma_wait3A_482 = arith.constant 0 : i32
      %dma_wait3A_483 = tpu.memref_slice %arg3[%dma_wait3A_481, %dma_wait3A_482] : memref<1000000x64xf32, #tpu.memory_space<hbm>> -> memref<1000000x64xf32, #tpu.memory_space<hbm>>
      %dma_wait3A_484 = tpu.memref_slice %arg7[%dma_wait3A_473] : memref<5x!tpu.dma_semaphore, #tpu.memory_space<semaphore_mem>> -> memref<1x!tpu.dma_semaphore, #tpu.memory_space<semaphore_mem>>
      %dma_wait3A_485 = tpu.memref_squeeze %dma_wait3A_484 : memref<1x!tpu.dma_semaphore, #tpu.memory_space<semaphore_mem>> -> memref<!tpu.dma_semaphore, #tpu.memory_space<semaphore_mem>>
      tpu.wait_indirect_dma semaphore(%dma_wait3A_485 : memref<!tpu.dma_semaphore, #tpu.memory_space<semaphore_mem>>) src(%dma_wait3A_483 : memref<1000000x64xf32, #tpu.memory_space<hbm>>) dst(%dma_wait3A_477 : memref<256x64xf32, #tpu.memory_space<vmem>>)
      %sub3A_486 = arith.constant 3 : i32
      %sub3A_487 = arith.subi %add3A_434, %sub3A_486 : i32
      %add3A_488 = arith.addi %mul3A_2, %sub3A_487 : i32
      %mul3A_489 = arith.constant 256 : i32
      %mul3A_490 = arith.muli %add3A_488, %mul3A_489 : i32
      %dma_start3A_491 = arith.constant 3 : i32
      %dma_start3A_492 = arith.constant 3 : i32
      %dma_start3A_493 = arith.constant 0 : i32
      %dma_start3A_494 = arith.constant 0 : i32
      %dma_start3A_495 = tpu.memref_slice %arg6[%dma_start3A_491, %dma_start3A_493, %dma_start3A_494] : memref<5x256x64xf32, #tpu.memory_space<vmem>> -> memref<1x256x64xf32, #tpu.memory_space<vmem>>
      %dma_start3A_496 = tpu.memref_squeeze %dma_start3A_495 : memref<1x256x64xf32, #tpu.memory_space<vmem>> -> memref<256x64xf32, #tpu.memory_space<vmem>>
      %dma_start3A_497 = arith.constant 0 : i32
      %dma_start3A_498 = tpu.memref_slice %arg4[%mul3A_490, %dma_start3A_497] : memref<819200x64xf32, #tpu.memory_space<hbm>> -> memref<256x64xf32, #tpu.memory_space<hbm>>
      %dma_start3A_499 = tpu.memref_slice %arg8[%dma_start3A_492] : memref<5x!tpu.dma_semaphore, #tpu.memory_space<semaphore_mem>> -> memref<1x!tpu.dma_semaphore, #tpu.memory_space<semaphore_mem>>
      %dma_start3A_500 = tpu.memref_squeeze %dma_start3A_499 : memref<1x!tpu.dma_semaphore, #tpu.memory_space<semaphore_mem>> -> memref<!tpu.dma_semaphore, #tpu.memory_space<semaphore_mem>>
      %dma_start3A_501 = arith.constant 0 : i32
      %dma_start3A_502 = tpu.memref_slice %arg4[%mul3A_490, %dma_start3A_501] : memref<819200x64xf32, #tpu.memory_space<hbm>> -> memref<256x64xf32, #tpu.memory_space<hbm>>
      %dma_start3A_503 = arith.constant 0 : i32
      %dma_start3A_504 = arith.constant 0 : i32
      %dma_start3A_505 = tpu.memref_slice %arg6[%dma_start3A_491, %dma_start3A_503, %dma_start3A_504] : memref<5x256x64xf32, #tpu.memory_space<vmem>> -> memref<1x256x64xf32, #tpu.memory_space<vmem>>
      %dma_start3A_506 = tpu.memref_squeeze %dma_start3A_505 : memref<1x256x64xf32, #tpu.memory_space<vmem>> -> memref<256x64xf32, #tpu.memory_space<vmem>>
      tpu.enqueue_dma source(%dma_start3A_506 : memref<256x64xf32, #tpu.memory_space<vmem>>) target(%dma_start3A_502 : memref<256x64xf32, #tpu.memory_space<hbm>>) target_semaphore(%dma_start3A_500 : memref<!tpu.dma_semaphore, #tpu.memory_space<semaphore_mem>>)
      %add3A_507 = arith.constant 2 : i32
      %add3A_508 = arith.addi %add3A_359, %add3A_507 : i32
      %sub3A_509 = arith.constant 5 : i32
      %sub3A_510 = arith.subi %add3A_508, %sub3A_509 : i32
      %add3A_511 = arith.addi %mul3A_2, %sub3A_510 : i32
      %mul3A_512 = arith.constant 256 : i32
      %mul3A_513 = arith.muli %add3A_511, %mul3A_512 : i32
      %dma_wait3A_514 = arith.constant 2 : i32
      %dma_wait3A_515 = arith.constant 2 : i32
      %dma_wait3A_516 = arith.constant 0 : i32
      %dma_wait3A_517 = arith.constant 0 : i32
      %dma_wait3A_518 = tpu.memref_slice %arg6[%dma_wait3A_514, %dma_wait3A_516, %dma_wait3A_517] : memref<5x256x64xf32, #tpu.memory_space<vmem>> -> memref<1x256x64xf32, #tpu.memory_space<vmem>>
      %dma_wait3A_519 = tpu.memref_squeeze %dma_wait3A_518 : memref<1x256x64xf32, #tpu.memory_space<vmem>> -> memref<256x64xf32, #tpu.memory_space<vmem>>
      %dma_wait3A_520 = arith.constant 0 : i32
      %dma_wait3A_521 = tpu.memref_slice %arg4[%mul3A_513, %dma_wait3A_520] : memref<819200x64xf32, #tpu.memory_space<hbm>> -> memref<256x64xf32, #tpu.memory_space<hbm>>
      %dma_wait3A_522 = tpu.memref_slice %arg8[%dma_wait3A_515] : memref<5x!tpu.dma_semaphore, #tpu.memory_space<semaphore_mem>> -> memref<1x!tpu.dma_semaphore, #tpu.memory_space<semaphore_mem>>
      %dma_wait3A_523 = tpu.memref_squeeze %dma_wait3A_522 : memref<1x!tpu.dma_semaphore, #tpu.memory_space<semaphore_mem>> -> memref<!tpu.dma_semaphore, #tpu.memory_space<semaphore_mem>>
      %dma_wait3A_524 = arith.constant 0 : i32
      %dma_wait3A_525 = tpu.memref_slice %arg4[%mul3A_513, %dma_wait3A_524] : memref<819200x64xf32, #tpu.memory_space<hbm>> -> memref<256x64xf32, #tpu.memory_space<hbm>>
      %dma_wait3A_526 = arith.constant 0 : i32
      %dma_wait3A_527 = arith.constant 0 : i32
      %dma_wait3A_528 = tpu.memref_slice %arg6[%dma_wait3A_514, %dma_wait3A_526, %dma_wait3A_527] : memref<5x256x64xf32, #tpu.memory_space<vmem>> -> memref<1x256x64xf32, #tpu.memory_space<vmem>>
      %dma_wait3A_529 = tpu.memref_squeeze %dma_wait3A_528 : memref<1x256x64xf32, #tpu.memory_space<vmem>> -> memref<256x64xf32, #tpu.memory_space<vmem>>
      tpu.wait_dma2 semaphore(%dma_wait3A_523 : memref<!tpu.dma_semaphore, #tpu.memory_space<semaphore_mem>>) src(%dma_wait3A_529 : memref<256x64xf32, #tpu.memory_space<vmem>>) dst(%dma_wait3A_525 : memref<256x64xf32, #tpu.memory_space<hbm>>)
      %dma_start3A_530 = arith.constant 2 : i32
      %dma_start3A_531 = arith.constant 2 : i32
      %dma_start3A_532 = arith.constant 0 : i32
      %dma_start3A_533 = arith.constant 0 : i32
      %dma_start3A_534 = tpu.memref_slice %arg6[%dma_start3A_530, %dma_start3A_532, %dma_start3A_533] : memref<5x256x64xf32, #tpu.memory_space<vmem>> -> memref<1x256x64xf32, #tpu.memory_space<vmem>>
      %dma_start3A_535 = tpu.memref_squeeze %dma_start3A_534 : memref<1x256x64xf32, #tpu.memory_space<vmem>> -> memref<256x64xf32, #tpu.memory_space<vmem>>
      %dma_start3A_536 = arith.constant 0 : i32
      %dma_start3A_537 = tpu.memref_slice %arg5[%add3A_508, %dma_start3A_536] : memref<100x256xi32, #tpu.memory_space<vmem>> -> memref<1x256xi32, #tpu.memory_space<vmem>>
      %dma_start3A_538 = tpu.memref_squeeze %dma_start3A_537 : memref<1x256xi32, #tpu.memory_space<vmem>> -> memref<256xi32, #tpu.memory_space<vmem>>
      %dma_start3A_539 = arith.constant 0 : i32
      %dma_start3A_540 = arith.constant 0 : i32
      %dma_start3A_541 = tpu.memref_slice %arg3[%dma_start3A_539, %dma_start3A_540] : memref<1000000x64xf32, #tpu.memory_space<hbm>> -> memref<1000000x64xf32, #tpu.memory_space<hbm>>
      %dma_start3A_542 = tpu.memref_slice %arg7[%dma_start3A_531] : memref<5x!tpu.dma_semaphore, #tpu.memory_space<semaphore_mem>> -> memref<1x!tpu.dma_semaphore, #tpu.memory_space<semaphore_mem>>
      %dma_start3A_543 = tpu.memref_squeeze %dma_start3A_542 : memref<1x!tpu.dma_semaphore, #tpu.memory_space<semaphore_mem>> -> memref<!tpu.dma_semaphore, #tpu.memory_space<semaphore_mem>>
      tpu.enqueue_indirect_dma source(%dma_start3A_541 : memref<1000000x64xf32, #tpu.memory_space<hbm>>) target(%dma_start3A_535 : memref<256x64xf32, #tpu.memory_space<vmem>>) offsets(%dma_start3A_538 : memref<256xi32, #tpu.memory_space<vmem>>) semaphore(%dma_start3A_543 : memref<!tpu.dma_semaphore, #tpu.memory_space<semaphore_mem>>)
      %sub3A_544 = arith.constant 3 : i32
      %sub3A_545 = arith.subi %add3A_508, %sub3A_544 : i32
      %dma_wait3A_546 = arith.constant 4 : i32
      %dma_wait3A_547 = arith.constant 4 : i32
      %dma_wait3A_548 = arith.constant 0 : i32
      %dma_wait3A_549 = arith.constant 0 : i32
      %dma_wait3A_550 = tpu.memref_slice %arg6[%dma_wait3A_546, %dma_wait3A_548, %dma_wait3A_549] : memref<5x256x64xf32, #tpu.memory_space<vmem>> -> memref<1x256x64xf32, #tpu.memory_space<vmem>>
      %dma_wait3A_551 = tpu.memref_squeeze %dma_wait3A_550 : memref<1x256x64xf32, #tpu.memory_space<vmem>> -> memref<256x64xf32, #tpu.memory_space<vmem>>
      %dma_wait3A_552 = arith.constant 0 : i32
      %dma_wait3A_553 = tpu.memref_slice %arg5[%sub3A_545, %dma_wait3A_552] : memref<100x256xi32, #tpu.memory_space<vmem>> -> memref<1x256xi32, #tpu.memory_space<vmem>>
      %dma_wait3A_554 = tpu.memref_squeeze %dma_wait3A_553 : memref<1x256xi32, #tpu.memory_space<vmem>> -> memref<256xi32, #tpu.memory_space<vmem>>
      %dma_wait3A_555 = arith.constant 0 : i32
      %dma_wait3A_556 = arith.constant 0 : i32
      %dma_wait3A_557 = tpu.memref_slice %arg3[%dma_wait3A_555, %dma_wait3A_556] : memref<1000000x64xf32, #tpu.memory_space<hbm>> -> memref<1000000x64xf32, #tpu.memory_space<hbm>>
      %dma_wait3A_558 = tpu.memref_slice %arg7[%dma_wait3A_547] : memref<5x!tpu.dma_semaphore, #tpu.memory_space<semaphore_mem>> -> memref<1x!tpu.dma_semaphore, #tpu.memory_space<semaphore_mem>>
      %dma_wait3A_559 = tpu.memref_squeeze %dma_wait3A_558 : memref<1x!tpu.dma_semaphore, #tpu.memory_space<semaphore_mem>> -> memref<!tpu.dma_semaphore, #tpu.memory_space<semaphore_mem>>
      tpu.wait_indirect_dma semaphore(%dma_wait3A_559 : memref<!tpu.dma_semaphore, #tpu.memory_space<semaphore_mem>>) src(%dma_wait3A_557 : memref<1000000x64xf32, #tpu.memory_space<hbm>>) dst(%dma_wait3A_551 : memref<256x64xf32, #tpu.memory_space<vmem>>)
      %sub3A_560 = arith.constant 3 : i32
      %sub3A_561 = arith.subi %add3A_508, %sub3A_560 : i32
      %add3A_562 = arith.addi %mul3A_2, %sub3A_561 : i32
      %mul3A_563 = arith.constant 256 : i32
      %mul3A_564 = arith.muli %add3A_562, %mul3A_563 : i32
      %dma_start3A_565 = arith.constant 4 : i32
      %dma_start3A_566 = arith.constant 4 : i32
      %dma_start3A_567 = arith.constant 0 : i32
      %dma_start3A_568 = arith.constant 0 : i32
      %dma_start3A_569 = tpu.memref_slice %arg6[%dma_start3A_565, %dma_start3A_567, %dma_start3A_568] : memref<5x256x64xf32, #tpu.memory_space<vmem>> -> memref<1x256x64xf32, #tpu.memory_space<vmem>>
      %dma_start3A_570 = tpu.memref_squeeze %dma_start3A_569 : memref<1x256x64xf32, #tpu.memory_space<vmem>> -> memref<256x64xf32, #tpu.memory_space<vmem>>
      %dma_start3A_571 = arith.constant 0 : i32
      %dma_start3A_572 = tpu.memref_slice %arg4[%mul3A_564, %dma_start3A_571] : memref<819200x64xf32, #tpu.memory_space<hbm>> -> memref<256x64xf32, #tpu.memory_space<hbm>>
      %dma_start3A_573 = tpu.memref_slice %arg8[%dma_start3A_566] : memref<5x!tpu.dma_semaphore, #tpu.memory_space<semaphore_mem>> -> memref<1x!tpu.dma_semaphore, #tpu.memory_space<semaphore_mem>>
      %dma_start3A_574 = tpu.memref_squeeze %dma_start3A_573 : memref<1x!tpu.dma_semaphore, #tpu.memory_space<semaphore_mem>> -> memref<!tpu.dma_semaphore, #tpu.memory_space<semaphore_mem>>
      %dma_start3A_575 = arith.constant 0 : i32
      %dma_start3A_576 = tpu.memref_slice %arg4[%mul3A_564, %dma_start3A_575] : memref<819200x64xf32, #tpu.memory_space<hbm>> -> memref<256x64xf32, #tpu.memory_space<hbm>>
      %dma_start3A_577 = arith.constant 0 : i32
      %dma_start3A_578 = arith.constant 0 : i32
      %dma_start3A_579 = tpu.memref_slice %arg6[%dma_start3A_565, %dma_start3A_577, %dma_start3A_578] : memref<5x256x64xf32, #tpu.memory_space<vmem>> -> memref<1x256x64xf32, #tpu.memory_space<vmem>>
      %dma_start3A_580 = tpu.memref_squeeze %dma_start3A_579 : memref<1x256x64xf32, #tpu.memory_space<vmem>> -> memref<256x64xf32, #tpu.memory_space<vmem>>
      tpu.enqueue_dma source(%dma_start3A_580 : memref<256x64xf32, #tpu.memory_space<vmem>>) target(%dma_start3A_576 : memref<256x64xf32, #tpu.memory_space<hbm>>) target_semaphore(%dma_start3A_574 : memref<!tpu.dma_semaphore, #tpu.memory_space<semaphore_mem>>)
      %add3A_581 = arith.constant 3 : i32
      %add3A_582 = arith.addi %add3A_359, %add3A_581 : i32
      %sub3A_583 = arith.constant 5 : i32
      %sub3A_584 = arith.subi %add3A_582, %sub3A_583 : i32
      %add3A_585 = arith.addi %mul3A_2, %sub3A_584 : i32
      %mul3A_586 = arith.constant 256 : i32
      %mul3A_587 = arith.muli %add3A_585, %mul3A_586 : i32
      %dma_wait3A_588 = arith.constant 3 : i32
      %dma_wait3A_589 = arith.constant 3 : i32
      %dma_wait3A_590 = arith.constant 0 : i32
      %dma_wait3A_591 = arith.constant 0 : i32
      %dma_wait3A_592 = tpu.memref_slice %arg6[%dma_wait3A_588, %dma_wait3A_590, %dma_wait3A_591] : memref<5x256x64xf32, #tpu.memory_space<vmem>> -> memref<1x256x64xf32, #tpu.memory_space<vmem>>
      %dma_wait3A_593 = tpu.memref_squeeze %dma_wait3A_592 : memref<1x256x64xf32, #tpu.memory_space<vmem>> -> memref<256x64xf32, #tpu.memory_space<vmem>>
      %dma_wait3A_594 = arith.constant 0 : i32
      %dma_wait3A_595 = tpu.memref_slice %arg4[%mul3A_587, %dma_wait3A_594] : memref<819200x64xf32, #tpu.memory_space<hbm>> -> memref<256x64xf32, #tpu.memory_space<hbm>>
      %dma_wait3A_596 = tpu.memref_slice %arg8[%dma_wait3A_589] : memref<5x!tpu.dma_semaphore, #tpu.memory_space<semaphore_mem>> -> memref<1x!tpu.dma_semaphore, #tpu.memory_space<semaphore_mem>>
      %dma_wait3A_597 = tpu.memref_squeeze %dma_wait3A_596 : memref<1x!tpu.dma_semaphore, #tpu.memory_space<semaphore_mem>> -> memref<!tpu.dma_semaphore, #tpu.memory_space<semaphore_mem>>
      %dma_wait3A_598 = arith.constant 0 : i32
      %dma_wait3A_599 = tpu.memref_slice %arg4[%mul3A_587, %dma_wait3A_598] : memref<819200x64xf32, #tpu.memory_space<hbm>> -> memref<256x64xf32, #tpu.memory_space<hbm>>
      %dma_wait3A_600 = arith.constant 0 : i32
      %dma_wait3A_601 = arith.constant 0 : i32
      %dma_wait3A_602 = tpu.memref_slice %arg6[%dma_wait3A_588, %dma_wait3A_600, %dma_wait3A_601] : memref<5x256x64xf32, #tpu.memory_space<vmem>> -> memref<1x256x64xf32, #tpu.memory_space<vmem>>
      %dma_wait3A_603 = tpu.memref_squeeze %dma_wait3A_602 : memref<1x256x64xf32, #tpu.memory_space<vmem>> -> memref<256x64xf32, #tpu.memory_space<vmem>>
      tpu.wait_dma2 semaphore(%dma_wait3A_597 : memref<!tpu.dma_semaphore, #tpu.memory_space<semaphore_mem>>) src(%dma_wait3A_603 : memref<256x64xf32, #tpu.memory_space<vmem>>) dst(%dma_wait3A_599 : memref<256x64xf32, #tpu.memory_space<hbm>>)
      %dma_start3A_604 = arith.constant 3 : i32
      %dma_start3A_605 = arith.constant 3 : i32
      %dma_start3A_606 = arith.constant 0 : i32
      %dma_start3A_607 = arith.constant 0 : i32
      %dma_start3A_608 = tpu.memref_slice %arg6[%dma_start3A_604, %dma_start3A_606, %dma_start3A_607] : memref<5x256x64xf32, #tpu.memory_space<vmem>> -> memref<1x256x64xf32, #tpu.memory_space<vmem>>
      %dma_start3A_609 = tpu.memref_squeeze %dma_start3A_608 : memref<1x256x64xf32, #tpu.memory_space<vmem>> -> memref<256x64xf32, #tpu.memory_space<vmem>>
      %dma_start3A_610 = arith.constant 0 : i32
      %dma_start3A_611 = tpu.memref_slice %arg5[%add3A_582, %dma_start3A_610] : memref<100x256xi32, #tpu.memory_space<vmem>> -> memref<1x256xi32, #tpu.memory_space<vmem>>
      %dma_start3A_612 = tpu.memref_squeeze %dma_start3A_611 : memref<1x256xi32, #tpu.memory_space<vmem>> -> memref<256xi32, #tpu.memory_space<vmem>>
      %dma_start3A_613 = arith.constant 0 : i32
      %dma_start3A_614 = arith.constant 0 : i32
      %dma_start3A_615 = tpu.memref_slice %arg3[%dma_start3A_613, %dma_start3A_614] : memref<1000000x64xf32, #tpu.memory_space<hbm>> -> memref<1000000x64xf32, #tpu.memory_space<hbm>>
      %dma_start3A_616 = tpu.memref_slice %arg7[%dma_start3A_605] : memref<5x!tpu.dma_semaphore, #tpu.memory_space<semaphore_mem>> -> memref<1x!tpu.dma_semaphore, #tpu.memory_space<semaphore_mem>>
      %dma_start3A_617 = tpu.memref_squeeze %dma_start3A_616 : memref<1x!tpu.dma_semaphore, #tpu.memory_space<semaphore_mem>> -> memref<!tpu.dma_semaphore, #tpu.memory_space<semaphore_mem>>
      tpu.enqueue_indirect_dma source(%dma_start3A_615 : memref<1000000x64xf32, #tpu.memory_space<hbm>>) target(%dma_start3A_609 : memref<256x64xf32, #tpu.memory_space<vmem>>) offsets(%dma_start3A_612 : memref<256xi32, #tpu.memory_space<vmem>>) semaphore(%dma_start3A_617 : memref<!tpu.dma_semaphore, #tpu.memory_space<semaphore_mem>>)
      %sub3A_618 = arith.constant 3 : i32
      %sub3A_619 = arith.subi %add3A_582, %sub3A_618 : i32
      %dma_wait3A_620 = arith.constant 0 : i32
      %dma_wait3A_621 = arith.constant 0 : i32
      %dma_wait3A_622 = arith.constant 0 : i32
      %dma_wait3A_623 = arith.constant 0 : i32
      %dma_wait3A_624 = tpu.memref_slice %arg6[%dma_wait3A_620, %dma_wait3A_622, %dma_wait3A_623] : memref<5x256x64xf32, #tpu.memory_space<vmem>> -> memref<1x256x64xf32, #tpu.memory_space<vmem>>
      %dma_wait3A_625 = tpu.memref_squeeze %dma_wait3A_624 : memref<1x256x64xf32, #tpu.memory_space<vmem>> -> memref<256x64xf32, #tpu.memory_space<vmem>>
      %dma_wait3A_626 = arith.constant 0 : i32
      %dma_wait3A_627 = tpu.memref_slice %arg5[%sub3A_619, %dma_wait3A_626] : memref<100x256xi32, #tpu.memory_space<vmem>> -> memref<1x256xi32, #tpu.memory_space<vmem>>
      %dma_wait3A_628 = tpu.memref_squeeze %dma_wait3A_627 : memref<1x256xi32, #tpu.memory_space<vmem>> -> memref<256xi32, #tpu.memory_space<vmem>>
      %dma_wait3A_629 = arith.constant 0 : i32
      %dma_wait3A_630 = arith.constant 0 : i32
      %dma_wait3A_631 = tpu.memref_slice %arg3[%dma_wait3A_629, %dma_wait3A_630] : memref<1000000x64xf32, #tpu.memory_space<hbm>> -> memref<1000000x64xf32, #tpu.memory_space<hbm>>
      %dma_wait3A_632 = tpu.memref_slice %arg7[%dma_wait3A_621] : memref<5x!tpu.dma_semaphore, #tpu.memory_space<semaphore_mem>> -> memref<1x!tpu.dma_semaphore, #tpu.memory_space<semaphore_mem>>
      %dma_wait3A_633 = tpu.memref_squeeze %dma_wait3A_632 : memref<1x!tpu.dma_semaphore, #tpu.memory_space<semaphore_mem>> -> memref<!tpu.dma_semaphore, #tpu.memory_space<semaphore_mem>>
      tpu.wait_indirect_dma semaphore(%dma_wait3A_633 : memref<!tpu.dma_semaphore, #tpu.memory_space<semaphore_mem>>) src(%dma_wait3A_631 : memref<1000000x64xf32, #tpu.memory_space<hbm>>) dst(%dma_wait3A_625 : memref<256x64xf32, #tpu.memory_space<vmem>>)
      %sub3A_634 = arith.constant 3 : i32
      %sub3A_635 = arith.subi %add3A_582, %sub3A_634 : i32
      %add3A_636 = arith.addi %mul3A_2, %sub3A_635 : i32
      %mul3A_637 = arith.constant 256 : i32
      %mul3A_638 = arith.muli %add3A_636, %mul3A_637 : i32
      %dma_start3A_639 = arith.constant 0 : i32
      %dma_start3A_640 = arith.constant 0 : i32
      %dma_start3A_641 = arith.constant 0 : i32
      %dma_start3A_642 = arith.constant 0 : i32
      %dma_start3A_643 = tpu.memref_slice %arg6[%dma_start3A_639, %dma_start3A_641, %dma_start3A_642] : memref<5x256x64xf32, #tpu.memory_space<vmem>> -> memref<1x256x64xf32, #tpu.memory_space<vmem>>
      %dma_start3A_644 = tpu.memref_squeeze %dma_start3A_643 : memref<1x256x64xf32, #tpu.memory_space<vmem>> -> memref<256x64xf32, #tpu.memory_space<vmem>>
      %dma_start3A_645 = arith.constant 0 : i32
      %dma_start3A_646 = tpu.memref_slice %arg4[%mul3A_638, %dma_start3A_645] : memref<819200x64xf32, #tpu.memory_space<hbm>> -> memref<256x64xf32, #tpu.memory_space<hbm>>
      %dma_start3A_647 = tpu.memref_slice %arg8[%dma_start3A_640] : memref<5x!tpu.dma_semaphore, #tpu.memory_space<semaphore_mem>> -> memref<1x!tpu.dma_semaphore, #tpu.memory_space<semaphore_mem>>
      %dma_start3A_648 = tpu.memref_squeeze %dma_start3A_647 : memref<1x!tpu.dma_semaphore, #tpu.memory_space<semaphore_mem>> -> memref<!tpu.dma_semaphore, #tpu.memory_space<semaphore_mem>>
      %dma_start3A_649 = arith.constant 0 : i32
      %dma_start3A_650 = tpu.memref_slice %arg4[%mul3A_638, %dma_start3A_649] : memref<819200x64xf32, #tpu.memory_space<hbm>> -> memref<256x64xf32, #tpu.memory_space<hbm>>
      %dma_start3A_651 = arith.constant 0 : i32
      %dma_start3A_652 = arith.constant 0 : i32
      %dma_start3A_653 = tpu.memref_slice %arg6[%dma_start3A_639, %dma_start3A_651, %dma_start3A_652] : memref<5x256x64xf32, #tpu.memory_space<vmem>> -> memref<1x256x64xf32, #tpu.memory_space<vmem>>
      %dma_start3A_654 = tpu.memref_squeeze %dma_start3A_653 : memref<1x256x64xf32, #tpu.memory_space<vmem>> -> memref<256x64xf32, #tpu.memory_space<vmem>>
      tpu.enqueue_dma source(%dma_start3A_654 : memref<256x64xf32, #tpu.memory_space<vmem>>) target(%dma_start3A_650 : memref<256x64xf32, #tpu.memory_space<hbm>>) target_semaphore(%dma_start3A_648 : memref<!tpu.dma_semaphore, #tpu.memory_space<semaphore_mem>>)
      %add3A_655 = arith.constant 4 : i32
      %add3A_656 = arith.addi %add3A_359, %add3A_655 : i32
      %sub3A_657 = arith.constant 5 : i32
      %sub3A_658 = arith.subi %add3A_656, %sub3A_657 : i32
      %add3A_659 = arith.addi %mul3A_2, %sub3A_658 : i32
      %mul3A_660 = arith.constant 256 : i32
      %mul3A_661 = arith.muli %add3A_659, %mul3A_660 : i32
      %dma_wait3A_662 = arith.constant 4 : i32
      %dma_wait3A_663 = arith.constant 4 : i32
      %dma_wait3A_664 = arith.constant 0 : i32
      %dma_wait3A_665 = arith.constant 0 : i32
      %dma_wait3A_666 = tpu.memref_slice %arg6[%dma_wait3A_662, %dma_wait3A_664, %dma_wait3A_665] : memref<5x256x64xf32, #tpu.memory_space<vmem>> -> memref<1x256x64xf32, #tpu.memory_space<vmem>>
      %dma_wait3A_667 = tpu.memref_squeeze %dma_wait3A_666 : memref<1x256x64xf32, #tpu.memory_space<vmem>> -> memref<256x64xf32, #tpu.memory_space<vmem>>
      %dma_wait3A_668 = arith.constant 0 : i32
      %dma_wait3A_669 = tpu.memref_slice %arg4[%mul3A_661, %dma_wait3A_668] : memref<819200x64xf32, #tpu.memory_space<hbm>> -> memref<256x64xf32, #tpu.memory_space<hbm>>
      %dma_wait3A_670 = tpu.memref_slice %arg8[%dma_wait3A_663] : memref<5x!tpu.dma_semaphore, #tpu.memory_space<semaphore_mem>> -> memref<1x!tpu.dma_semaphore, #tpu.memory_space<semaphore_mem>>
      %dma_wait3A_671 = tpu.memref_squeeze %dma_wait3A_670 : memref<1x!tpu.dma_semaphore, #tpu.memory_space<semaphore_mem>> -> memref<!tpu.dma_semaphore, #tpu.memory_space<semaphore_mem>>
      %dma_wait3A_672 = arith.constant 0 : i32
      %dma_wait3A_673 = tpu.memref_slice %arg4[%mul3A_661, %dma_wait3A_672] : memref<819200x64xf32, #tpu.memory_space<hbm>> -> memref<256x64xf32, #tpu.memory_space<hbm>>
      %dma_wait3A_674 = arith.constant 0 : i32
      %dma_wait3A_675 = arith.constant 0 : i32
      %dma_wait3A_676 = tpu.memref_slice %arg6[%dma_wait3A_662, %dma_wait3A_674, %dma_wait3A_675] : memref<5x256x64xf32, #tpu.memory_space<vmem>> -> memref<1x256x64xf32, #tpu.memory_space<vmem>>
      %dma_wait3A_677 = tpu.memref_squeeze %dma_wait3A_676 : memref<1x256x64xf32, #tpu.memory_space<vmem>> -> memref<256x64xf32, #tpu.memory_space<vmem>>
      tpu.wait_dma2 semaphore(%dma_wait3A_671 : memref<!tpu.dma_semaphore, #tpu.memory_space<semaphore_mem>>) src(%dma_wait3A_677 : memref<256x64xf32, #tpu.memory_space<vmem>>) dst(%dma_wait3A_673 : memref<256x64xf32, #tpu.memory_space<hbm>>)
      %dma_start3A_678 = arith.constant 4 : i32
      %dma_start3A_679 = arith.constant 4 : i32
      %dma_start3A_680 = arith.constant 0 : i32
      %dma_start3A_681 = arith.constant 0 : i32
      %dma_start3A_682 = tpu.memref_slice %arg6[%dma_start3A_678, %dma_start3A_680, %dma_start3A_681] : memref<5x256x64xf32, #tpu.memory_space<vmem>> -> memref<1x256x64xf32, #tpu.memory_space<vmem>>
      %dma_start3A_683 = tpu.memref_squeeze %dma_start3A_682 : memref<1x256x64xf32, #tpu.memory_space<vmem>> -> memref<256x64xf32, #tpu.memory_space<vmem>>
      %dma_start3A_684 = arith.constant 0 : i32
      %dma_start3A_685 = tpu.memref_slice %arg5[%add3A_656, %dma_start3A_684] : memref<100x256xi32, #tpu.memory_space<vmem>> -> memref<1x256xi32, #tpu.memory_space<vmem>>
      %dma_start3A_686 = tpu.memref_squeeze %dma_start3A_685 : memref<1x256xi32, #tpu.memory_space<vmem>> -> memref<256xi32, #tpu.memory_space<vmem>>
      %dma_start3A_687 = arith.constant 0 : i32
      %dma_start3A_688 = arith.constant 0 : i32
      %dma_start3A_689 = tpu.memref_slice %arg3[%dma_start3A_687, %dma_start3A_688] : memref<1000000x64xf32, #tpu.memory_space<hbm>> -> memref<1000000x64xf32, #tpu.memory_space<hbm>>
      %dma_start3A_690 = tpu.memref_slice %arg7[%dma_start3A_679] : memref<5x!tpu.dma_semaphore, #tpu.memory_space<semaphore_mem>> -> memref<1x!tpu.dma_semaphore, #tpu.memory_space<semaphore_mem>>
      %dma_start3A_691 = tpu.memref_squeeze %dma_start3A_690 : memref<1x!tpu.dma_semaphore, #tpu.memory_space<semaphore_mem>> -> memref<!tpu.dma_semaphore, #tpu.memory_space<semaphore_mem>>
      tpu.enqueue_indirect_dma source(%dma_start3A_689 : memref<1000000x64xf32, #tpu.memory_space<hbm>>) target(%dma_start3A_683 : memref<256x64xf32, #tpu.memory_space<vmem>>) offsets(%dma_start3A_686 : memref<256xi32, #tpu.memory_space<vmem>>) semaphore(%dma_start3A_691 : memref<!tpu.dma_semaphore, #tpu.memory_space<semaphore_mem>>)
      %sub3A_692 = arith.constant 3 : i32
      %sub3A_693 = arith.subi %add3A_656, %sub3A_692 : i32
      %dma_wait3A_694 = arith.constant 1 : i32
      %dma_wait3A_695 = arith.constant 1 : i32
      %dma_wait3A_696 = arith.constant 0 : i32
      %dma_wait3A_697 = arith.constant 0 : i32
      %dma_wait3A_698 = tpu.memref_slice %arg6[%dma_wait3A_694, %dma_wait3A_696, %dma_wait3A_697] : memref<5x256x64xf32, #tpu.memory_space<vmem>> -> memref<1x256x64xf32, #tpu.memory_space<vmem>>
      %dma_wait3A_699 = tpu.memref_squeeze %dma_wait3A_698 : memref<1x256x64xf32, #tpu.memory_space<vmem>> -> memref<256x64xf32, #tpu.memory_space<vmem>>
      %dma_wait3A_700 = arith.constant 0 : i32
      %dma_wait3A_701 = tpu.memref_slice %arg5[%sub3A_693, %dma_wait3A_700] : memref<100x256xi32, #tpu.memory_space<vmem>> -> memref<1x256xi32, #tpu.memory_space<vmem>>
      %dma_wait3A_702 = tpu.memref_squeeze %dma_wait3A_701 : memref<1x256xi32, #tpu.memory_space<vmem>> -> memref<256xi32, #tpu.memory_space<vmem>>
      %dma_wait3A_703 = arith.constant 0 : i32
      %dma_wait3A_704 = arith.constant 0 : i32
      %dma_wait3A_705 = tpu.memref_slice %arg3[%dma_wait3A_703, %dma_wait3A_704] : memref<1000000x64xf32, #tpu.memory_space<hbm>> -> memref<1000000x64xf32, #tpu.memory_space<hbm>>
      %dma_wait3A_706 = tpu.memref_slice %arg7[%dma_wait3A_695] : memref<5x!tpu.dma_semaphore, #tpu.memory_space<semaphore_mem>> -> memref<1x!tpu.dma_semaphore, #tpu.memory_space<semaphore_mem>>
      %dma_wait3A_707 = tpu.memref_squeeze %dma_wait3A_706 : memref<1x!tpu.dma_semaphore, #tpu.memory_space<semaphore_mem>> -> memref<!tpu.dma_semaphore, #tpu.memory_space<semaphore_mem>>
      tpu.wait_indirect_dma semaphore(%dma_wait3A_707 : memref<!tpu.dma_semaphore, #tpu.memory_space<semaphore_mem>>) src(%dma_wait3A_705 : memref<1000000x64xf32, #tpu.memory_space<hbm>>) dst(%dma_wait3A_699 : memref<256x64xf32, #tpu.memory_space<vmem>>)
      %sub3A_708 = arith.constant 3 : i32
      %sub3A_709 = arith.subi %add3A_656, %sub3A_708 : i32
      %add3A_710 = arith.addi %mul3A_2, %sub3A_709 : i32
      %mul3A_711 = arith.constant 256 : i32
      %mul3A_712 = arith.muli %add3A_710, %mul3A_711 : i32
      %dma_start3A_713 = arith.constant 1 : i32
      %dma_start3A_714 = arith.constant 1 : i32
      %dma_start3A_715 = arith.constant 0 : i32
      %dma_start3A_716 = arith.constant 0 : i32
      %dma_start3A_717 = tpu.memref_slice %arg6[%dma_start3A_713, %dma_start3A_715, %dma_start3A_716] : memref<5x256x64xf32, #tpu.memory_space<vmem>> -> memref<1x256x64xf32, #tpu.memory_space<vmem>>
      %dma_start3A_718 = tpu.memref_squeeze %dma_start3A_717 : memref<1x256x64xf32, #tpu.memory_space<vmem>> -> memref<256x64xf32, #tpu.memory_space<vmem>>
      %dma_start3A_719 = arith.constant 0 : i32
      %dma_start3A_720 = tpu.memref_slice %arg4[%mul3A_712, %dma_start3A_719] : memref<819200x64xf32, #tpu.memory_space<hbm>> -> memref<256x64xf32, #tpu.memory_space<hbm>>
      %dma_start3A_721 = tpu.memref_slice %arg8[%dma_start3A_714] : memref<5x!tpu.dma_semaphore, #tpu.memory_space<semaphore_mem>> -> memref<1x!tpu.dma_semaphore, #tpu.memory_space<semaphore_mem>>
      %dma_start3A_722 = tpu.memref_squeeze %dma_start3A_721 : memref<1x!tpu.dma_semaphore, #tpu.memory_space<semaphore_mem>> -> memref<!tpu.dma_semaphore, #tpu.memory_space<semaphore_mem>>
      %dma_start3A_723 = arith.constant 0 : i32
      %dma_start3A_724 = tpu.memref_slice %arg4[%mul3A_712, %dma_start3A_723] : memref<819200x64xf32, #tpu.memory_space<hbm>> -> memref<256x64xf32, #tpu.memory_space<hbm>>
      %dma_start3A_725 = arith.constant 0 : i32
      %dma_start3A_726 = arith.constant 0 : i32
      %dma_start3A_727 = tpu.memref_slice %arg6[%dma_start3A_713, %dma_start3A_725, %dma_start3A_726] : memref<5x256x64xf32, #tpu.memory_space<vmem>> -> memref<1x256x64xf32, #tpu.memory_space<vmem>>
      %dma_start3A_728 = tpu.memref_squeeze %dma_start3A_727 : memref<1x256x64xf32, #tpu.memory_space<vmem>> -> memref<256x64xf32, #tpu.memory_space<vmem>>
      tpu.enqueue_dma source(%dma_start3A_728 : memref<256x64xf32, #tpu.memory_space<vmem>>) target(%dma_start3A_724 : memref<256x64xf32, #tpu.memory_space<hbm>>) target_semaphore(%dma_start3A_722 : memref<!tpu.dma_semaphore, #tpu.memory_space<semaphore_mem>>)
    }
    %scan3A_149 = arith.constant 19 : i32
    %dma_wait3A_150 = arith.constant 97 : i32
    %dma_wait3A_151 = arith.constant 2 : i32
    %dma_wait3A_152 = arith.constant 2 : i32
    %dma_wait3A_153 = arith.constant 0 : i32
    %dma_wait3A_154 = arith.constant 0 : i32
    %dma_wait3A_155 = tpu.memref_slice %arg6[%dma_wait3A_151, %dma_wait3A_153, %dma_wait3A_154] : memref<5x256x64xf32, #tpu.memory_space<vmem>> -> memref<1x256x64xf32, #tpu.memory_space<vmem>>
    %dma_wait3A_156 = tpu.memref_squeeze %dma_wait3A_155 : memref<1x256x64xf32, #tpu.memory_space<vmem>> -> memref<256x64xf32, #tpu.memory_space<vmem>>
    %dma_wait3A_157 = arith.constant 0 : i32
    %dma_wait3A_158 = tpu.memref_slice %arg5[%dma_wait3A_150, %dma_wait3A_157] : memref<100x256xi32, #tpu.memory_space<vmem>> -> memref<1x256xi32, #tpu.memory_space<vmem>>
    %dma_wait3A_159 = tpu.memref_squeeze %dma_wait3A_158 : memref<1x256xi32, #tpu.memory_space<vmem>> -> memref<256xi32, #tpu.memory_space<vmem>>
    %dma_wait3A_160 = arith.constant 0 : i32
    %dma_wait3A_161 = arith.constant 0 : i32
    %dma_wait3A_162 = tpu.memref_slice %arg3[%dma_wait3A_160, %dma_wait3A_161] : memref<1000000x64xf32, #tpu.memory_space<hbm>> -> memref<1000000x64xf32, #tpu.memory_space<hbm>>
    %dma_wait3A_163 = tpu.memref_slice %arg7[%dma_wait3A_152] : memref<5x!tpu.dma_semaphore, #tpu.memory_space<semaphore_mem>> -> memref<1x!tpu.dma_semaphore, #tpu.memory_space<semaphore_mem>>
    %dma_wait3A_164 = tpu.memref_squeeze %dma_wait3A_163 : memref<1x!tpu.dma_semaphore, #tpu.memory_space<semaphore_mem>> -> memref<!tpu.dma_semaphore, #tpu.memory_space<semaphore_mem>>
    tpu.wait_indirect_dma semaphore(%dma_wait3A_164 : memref<!tpu.dma_semaphore, #tpu.memory_space<semaphore_mem>>) src(%dma_wait3A_162 : memref<1000000x64xf32, #tpu.memory_space<hbm>>) dst(%dma_wait3A_156 : memref<256x64xf32, #tpu.memory_space<vmem>>)
    %add3A_165 = arith.constant 97 : i32
    %add3A_166 = arith.addi %mul3A_2, %add3A_165 : i32
    %mul3A_167 = arith.constant 256 : i32
    %mul3A_168 = arith.muli %add3A_166, %mul3A_167 : i32
    %dma_start3A_169 = arith.constant 2 : i32
    %dma_start3A_170 = arith.constant 2 : i32
    %dma_start3A_171 = arith.constant 0 : i32
    %dma_start3A_172 = arith.constant 0 : i32
    %dma_start3A_173 = tpu.memref_slice %arg6[%dma_start3A_169, %dma_start3A_171, %dma_start3A_172] : memref<5x256x64xf32, #tpu.memory_space<vmem>> -> memref<1x256x64xf32, #tpu.memory_space<vmem>>
    %dma_start3A_174 = tpu.memref_squeeze %dma_start3A_173 : memref<1x256x64xf32, #tpu.memory_space<vmem>> -> memref<256x64xf32, #tpu.memory_space<vmem>>
    %dma_start3A_175 = arith.constant 0 : i32
    %dma_start3A_176 = tpu.memref_slice %arg4[%mul3A_168, %dma_start3A_175] : memref<819200x64xf32, #tpu.memory_space<hbm>> -> memref<256x64xf32, #tpu.memory_space<hbm>>
    %dma_start3A_177 = tpu.memref_slice %arg8[%dma_start3A_170] : memref<5x!tpu.dma_semaphore, #tpu.memory_space<semaphore_mem>> -> memref<1x!tpu.dma_semaphore, #tpu.memory_space<semaphore_mem>>
    %dma_start3A_178 = tpu.memref_squeeze %dma_start3A_177 : memref<1x!tpu.dma_semaphore, #tpu.memory_space<semaphore_mem>> -> memref<!tpu.dma_semaphore, #tpu.memory_space<semaphore_mem>>
    %dma_start3A_179 = arith.constant 0 : i32
    %dma_start3A_180 = tpu.memref_slice %arg4[%mul3A_168, %dma_start3A_179] : memref<819200x64xf32, #tpu.memory_space<hbm>> -> memref<256x64xf32, #tpu.memory_space<hbm>>
    %dma_start3A_181 = arith.constant 0 : i32
    %dma_start3A_182 = arith.constant 0 : i32
    %dma_start3A_183 = tpu.memref_slice %arg6[%dma_start3A_169, %dma_start3A_181, %dma_start3A_182] : memref<5x256x64xf32, #tpu.memory_space<vmem>> -> memref<1x256x64xf32, #tpu.memory_space<vmem>>
    %dma_start3A_184 = tpu.memref_squeeze %dma_start3A_183 : memref<1x256x64xf32, #tpu.memory_space<vmem>> -> memref<256x64xf32, #tpu.memory_space<vmem>>
    tpu.enqueue_dma source(%dma_start3A_184 : memref<256x64xf32, #tpu.memory_space<vmem>>) target(%dma_start3A_180 : memref<256x64xf32, #tpu.memory_space<hbm>>) target_semaphore(%dma_start3A_178 : memref<!tpu.dma_semaphore, #tpu.memory_space<semaphore_mem>>)
    %dma_wait3A_185 = arith.constant 98 : i32
    %dma_wait3A_186 = arith.constant 3 : i32
    %dma_wait3A_187 = arith.constant 3 : i32
    %dma_wait3A_188 = arith.constant 0 : i32
    %dma_wait3A_189 = arith.constant 0 : i32
    %dma_wait3A_190 = tpu.memref_slice %arg6[%dma_wait3A_186, %dma_wait3A_188, %dma_wait3A_189] : memref<5x256x64xf32, #tpu.memory_space<vmem>> -> memref<1x256x64xf32, #tpu.memory_space<vmem>>
    %dma_wait3A_191 = tpu.memref_squeeze %dma_wait3A_190 : memref<1x256x64xf32, #tpu.memory_space<vmem>> -> memref<256x64xf32, #tpu.memory_space<vmem>>
    %dma_wait3A_192 = arith.constant 0 : i32
    %dma_wait3A_193 = tpu.memref_slice %arg5[%dma_wait3A_185, %dma_wait3A_192] : memref<100x256xi32, #tpu.memory_space<vmem>> -> memref<1x256xi32, #tpu.memory_space<vmem>>
    %dma_wait3A_194 = tpu.memref_squeeze %dma_wait3A_193 : memref<1x256xi32, #tpu.memory_space<vmem>> -> memref<256xi32, #tpu.memory_space<vmem>>
    %dma_wait3A_195 = arith.constant 0 : i32
    %dma_wait3A_196 = arith.constant 0 : i32
    %dma_wait3A_197 = tpu.memref_slice %arg3[%dma_wait3A_195, %dma_wait3A_196] : memref<1000000x64xf32, #tpu.memory_space<hbm>> -> memref<1000000x64xf32, #tpu.memory_space<hbm>>
    %dma_wait3A_198 = tpu.memref_slice %arg7[%dma_wait3A_187] : memref<5x!tpu.dma_semaphore, #tpu.memory_space<semaphore_mem>> -> memref<1x!tpu.dma_semaphore, #tpu.memory_space<semaphore_mem>>
    %dma_wait3A_199 = tpu.memref_squeeze %dma_wait3A_198 : memref<1x!tpu.dma_semaphore, #tpu.memory_space<semaphore_mem>> -> memref<!tpu.dma_semaphore, #tpu.memory_space<semaphore_mem>>
    tpu.wait_indirect_dma semaphore(%dma_wait3A_199 : memref<!tpu.dma_semaphore, #tpu.memory_space<semaphore_mem>>) src(%dma_wait3A_197 : memref<1000000x64xf32, #tpu.memory_space<hbm>>) dst(%dma_wait3A_191 : memref<256x64xf32, #tpu.memory_space<vmem>>)
    %add3A_200 = arith.constant 98 : i32
    %add3A_201 = arith.addi %mul3A_2, %add3A_200 : i32
    %mul3A_202 = arith.constant 256 : i32
    %mul3A_203 = arith.muli %add3A_201, %mul3A_202 : i32
    %dma_start3A_204 = arith.constant 3 : i32
    %dma_start3A_205 = arith.constant 3 : i32
    %dma_start3A_206 = arith.constant 0 : i32
    %dma_start3A_207 = arith.constant 0 : i32
    %dma_start3A_208 = tpu.memref_slice %arg6[%dma_start3A_204, %dma_start3A_206, %dma_start3A_207] : memref<5x256x64xf32, #tpu.memory_space<vmem>> -> memref<1x256x64xf32, #tpu.memory_space<vmem>>
    %dma_start3A_209 = tpu.memref_squeeze %dma_start3A_208 : memref<1x256x64xf32, #tpu.memory_space<vmem>> -> memref<256x64xf32, #tpu.memory_space<vmem>>
    %dma_start3A_210 = arith.constant 0 : i32
    %dma_start3A_211 = tpu.memref_slice %arg4[%mul3A_203, %dma_start3A_210] : memref<819200x64xf32, #tpu.memory_space<hbm>> -> memref<256x64xf32, #tpu.memory_space<hbm>>
    %dma_start3A_212 = tpu.memref_slice %arg8[%dma_start3A_205] : memref<5x!tpu.dma_semaphore, #tpu.memory_space<semaphore_mem>> -> memref<1x!tpu.dma_semaphore, #tpu.memory_space<semaphore_mem>>
    %dma_start3A_213 = tpu.memref_squeeze %dma_start3A_212 : memref<1x!tpu.dma_semaphore, #tpu.memory_space<semaphore_mem>> -> memref<!tpu.dma_semaphore, #tpu.memory_space<semaphore_mem>>
    %dma_start3A_214 = arith.constant 0 : i32
    %dma_start3A_215 = tpu.memref_slice %arg4[%mul3A_203, %dma_start3A_214] : memref<819200x64xf32, #tpu.memory_space<hbm>> -> memref<256x64xf32, #tpu.memory_space<hbm>>
    %dma_start3A_216 = arith.constant 0 : i32
    %dma_start3A_217 = arith.constant 0 : i32
    %dma_start3A_218 = tpu.memref_slice %arg6[%dma_start3A_204, %dma_start3A_216, %dma_start3A_217] : memref<5x256x64xf32, #tpu.memory_space<vmem>> -> memref<1x256x64xf32, #tpu.memory_space<vmem>>
    %dma_start3A_219 = tpu.memref_squeeze %dma_start3A_218 : memref<1x256x64xf32, #tpu.memory_space<vmem>> -> memref<256x64xf32, #tpu.memory_space<vmem>>
    tpu.enqueue_dma source(%dma_start3A_219 : memref<256x64xf32, #tpu.memory_space<vmem>>) target(%dma_start3A_215 : memref<256x64xf32, #tpu.memory_space<hbm>>) target_semaphore(%dma_start3A_213 : memref<!tpu.dma_semaphore, #tpu.memory_space<semaphore_mem>>)
    %dma_wait3A_220 = arith.constant 99 : i32
    %dma_wait3A_221 = arith.constant 4 : i32
    %dma_wait3A_222 = arith.constant 4 : i32
    %dma_wait3A_223 = arith.constant 0 : i32
    %dma_wait3A_224 = arith.constant 0 : i32
    %dma_wait3A_225 = tpu.memref_slice %arg6[%dma_wait3A_221, %dma_wait3A_223, %dma_wait3A_224] : memref<5x256x64xf32, #tpu.memory_space<vmem>> -> memref<1x256x64xf32, #tpu.memory_space<vmem>>
    %dma_wait3A_226 = tpu.memref_squeeze %dma_wait3A_225 : memref<1x256x64xf32, #tpu.memory_space<vmem>> -> memref<256x64xf32, #tpu.memory_space<vmem>>
    %dma_wait3A_227 = arith.constant 0 : i32
    %dma_wait3A_228 = tpu.memref_slice %arg5[%dma_wait3A_220, %dma_wait3A_227] : memref<100x256xi32, #tpu.memory_space<vmem>> -> memref<1x256xi32, #tpu.memory_space<vmem>>
    %dma_wait3A_229 = tpu.memref_squeeze %dma_wait3A_228 : memref<1x256xi32, #tpu.memory_space<vmem>> -> memref<256xi32, #tpu.memory_space<vmem>>
    %dma_wait3A_230 = arith.constant 0 : i32
    %dma_wait3A_231 = arith.constant 0 : i32
    %dma_wait3A_232 = tpu.memref_slice %arg3[%dma_wait3A_230, %dma_wait3A_231] : memref<1000000x64xf32, #tpu.memory_space<hbm>> -> memref<1000000x64xf32, #tpu.memory_space<hbm>>
    %dma_wait3A_233 = tpu.memref_slice %arg7[%dma_wait3A_222] : memref<5x!tpu.dma_semaphore, #tpu.memory_space<semaphore_mem>> -> memref<1x!tpu.dma_semaphore, #tpu.memory_space<semaphore_mem>>
    %dma_wait3A_234 = tpu.memref_squeeze %dma_wait3A_233 : memref<1x!tpu.dma_semaphore, #tpu.memory_space<semaphore_mem>> -> memref<!tpu.dma_semaphore, #tpu.memory_space<semaphore_mem>>
    tpu.wait_indirect_dma semaphore(%dma_wait3A_234 : memref<!tpu.dma_semaphore, #tpu.memory_space<semaphore_mem>>) src(%dma_wait3A_232 : memref<1000000x64xf32, #tpu.memory_space<hbm>>) dst(%dma_wait3A_226 : memref<256x64xf32, #tpu.memory_space<vmem>>)
    %add3A_235 = arith.constant 99 : i32
    %add3A_236 = arith.addi %mul3A_2, %add3A_235 : i32
    %mul3A_237 = arith.constant 256 : i32
    %mul3A_238 = arith.muli %add3A_236, %mul3A_237 : i32
    %dma_start3A_239 = arith.constant 4 : i32
    %dma_start3A_240 = arith.constant 4 : i32
    %dma_start3A_241 = arith.constant 0 : i32
    %dma_start3A_242 = arith.constant 0 : i32
    %dma_start3A_243 = tpu.memref_slice %arg6[%dma_start3A_239, %dma_start3A_241, %dma_start3A_242] : memref<5x256x64xf32, #tpu.memory_space<vmem>> -> memref<1x256x64xf32, #tpu.memory_space<vmem>>
    %dma_start3A_244 = tpu.memref_squeeze %dma_start3A_243 : memref<1x256x64xf32, #tpu.memory_space<vmem>> -> memref<256x64xf32, #tpu.memory_space<vmem>>
    %dma_start3A_245 = arith.constant 0 : i32
    %dma_start3A_246 = tpu.memref_slice %arg4[%mul3A_238, %dma_start3A_245] : memref<819200x64xf32, #tpu.memory_space<hbm>> -> memref<256x64xf32, #tpu.memory_space<hbm>>
    %dma_start3A_247 = tpu.memref_slice %arg8[%dma_start3A_240] : memref<5x!tpu.dma_semaphore, #tpu.memory_space<semaphore_mem>> -> memref<1x!tpu.dma_semaphore, #tpu.memory_space<semaphore_mem>>
    %dma_start3A_248 = tpu.memref_squeeze %dma_start3A_247 : memref<1x!tpu.dma_semaphore, #tpu.memory_space<semaphore_mem>> -> memref<!tpu.dma_semaphore, #tpu.memory_space<semaphore_mem>>
    %dma_start3A_249 = arith.constant 0 : i32
    %dma_start3A_250 = tpu.memref_slice %arg4[%mul3A_238, %dma_start3A_249] : memref<819200x64xf32, #tpu.memory_space<hbm>> -> memref<256x64xf32, #tpu.memory_space<hbm>>
    %dma_start3A_251 = arith.constant 0 : i32
    %dma_start3A_252 = arith.constant 0 : i32
    %dma_start3A_253 = tpu.memref_slice %arg6[%dma_start3A_239, %dma_start3A_251, %dma_start3A_252] : memref<5x256x64xf32, #tpu.memory_space<vmem>> -> memref<1x256x64xf32, #tpu.memory_space<vmem>>
    %dma_start3A_254 = tpu.memref_squeeze %dma_start3A_253 : memref<1x256x64xf32, #tpu.memory_space<vmem>> -> memref<256x64xf32, #tpu.memory_space<vmem>>
    tpu.enqueue_dma source(%dma_start3A_254 : memref<256x64xf32, #tpu.memory_space<vmem>>) target(%dma_start3A_250 : memref<256x64xf32, #tpu.memory_space<hbm>>) target_semaphore(%dma_start3A_248 : memref<!tpu.dma_semaphore, #tpu.memory_space<semaphore_mem>>)
    %add3A_255 = arith.constant 95 : i32
    %add3A_256 = arith.addi %mul3A_2, %add3A_255 : i32
    %mul3A_257 = arith.constant 256 : i32
    %mul3A_258 = arith.muli %add3A_256, %mul3A_257 : i32
    %dma_wait3A_259 = arith.constant 0 : i32
    %dma_wait3A_260 = arith.constant 0 : i32
    %dma_wait3A_261 = arith.constant 0 : i32
    %dma_wait3A_262 = arith.constant 0 : i32
    %dma_wait3A_263 = tpu.memref_slice %arg6[%dma_wait3A_259, %dma_wait3A_261, %dma_wait3A_262] : memref<5x256x64xf32, #tpu.memory_space<vmem>> -> memref<1x256x64xf32, #tpu.memory_space<vmem>>
    %dma_wait3A_264 = tpu.memref_squeeze %dma_wait3A_263 : memref<1x256x64xf32, #tpu.memory_space<vmem>> -> memref<256x64xf32, #tpu.memory_space<vmem>>
    %dma_wait3A_265 = arith.constant 0 : i32
    %dma_wait3A_266 = tpu.memref_slice %arg4[%mul3A_258, %dma_wait3A_265] : memref<819200x64xf32, #tpu.memory_space<hbm>> -> memref<256x64xf32, #tpu.memory_space<hbm>>
    %dma_wait3A_267 = tpu.memref_slice %arg8[%dma_wait3A_260] : memref<5x!tpu.dma_semaphore, #tpu.memory_space<semaphore_mem>> -> memref<1x!tpu.dma_semaphore, #tpu.memory_space<semaphore_mem>>
    %dma_wait3A_268 = tpu.memref_squeeze %dma_wait3A_267 : memref<1x!tpu.dma_semaphore, #tpu.memory_space<semaphore_mem>> -> memref<!tpu.dma_semaphore, #tpu.memory_space<semaphore_mem>>
    %dma_wait3A_269 = arith.constant 0 : i32
    %dma_wait3A_270 = tpu.memref_slice %arg4[%mul3A_258, %dma_wait3A_269] : memref<819200x64xf32, #tpu.memory_space<hbm>> -> memref<256x64xf32, #tpu.memory_space<hbm>>
    %dma_wait3A_271 = arith.constant 0 : i32
    %dma_wait3A_272 = arith.constant 0 : i32
    %dma_wait3A_273 = tpu.memref_slice %arg6[%dma_wait3A_259, %dma_wait3A_271, %dma_wait3A_272] : memref<5x256x64xf32, #tpu.memory_space<vmem>> -> memref<1x256x64xf32, #tpu.memory_space<vmem>>
    %dma_wait3A_274 = tpu.memref_squeeze %dma_wait3A_273 : memref<1x256x64xf32, #tpu.memory_space<vmem>> -> memref<256x64xf32, #tpu.memory_space<vmem>>
    tpu.wait_dma2 semaphore(%dma_wait3A_268 : memref<!tpu.dma_semaphore, #tpu.memory_space<semaphore_mem>>) src(%dma_wait3A_274 : memref<256x64xf32, #tpu.memory_space<vmem>>) dst(%dma_wait3A_270 : memref<256x64xf32, #tpu.memory_space<hbm>>)
    %add3A_275 = arith.constant 96 : i32
    %add3A_276 = arith.addi %mul3A_2, %add3A_275 : i32
    %mul3A_277 = arith.constant 256 : i32
    %mul3A_278 = arith.muli %add3A_276, %mul3A_277 : i32
    %dma_wait3A_279 = arith.constant 1 : i32
    %dma_wait3A_280 = arith.constant 1 : i32
    %dma_wait3A_281 = arith.constant 0 : i32
    %dma_wait3A_282 = arith.constant 0 : i32
    %dma_wait3A_283 = tpu.memref_slice %arg6[%dma_wait3A_279, %dma_wait3A_281, %dma_wait3A_282] : memref<5x256x64xf32, #tpu.memory_space<vmem>> -> memref<1x256x64xf32, #tpu.memory_space<vmem>>
    %dma_wait3A_284 = tpu.memref_squeeze %dma_wait3A_283 : memref<1x256x64xf32, #tpu.memory_space<vmem>> -> memref<256x64xf32, #tpu.memory_space<vmem>>
    %dma_wait3A_285 = arith.constant 0 : i32
    %dma_wait3A_286 = tpu.memref_slice %arg4[%mul3A_278, %dma_wait3A_285] : memref<819200x64xf32, #tpu.memory_space<hbm>> -> memref<256x64xf32, #tpu.memory_space<hbm>>
    %dma_wait3A_287 = tpu.memref_slice %arg8[%dma_wait3A_280] : memref<5x!tpu.dma_semaphore, #tpu.memory_space<semaphore_mem>> -> memref<1x!tpu.dma_semaphore, #tpu.memory_space<semaphore_mem>>
    %dma_wait3A_288 = tpu.memref_squeeze %dma_wait3A_287 : memref<1x!tpu.dma_semaphore, #tpu.memory_space<semaphore_mem>> -> memref<!tpu.dma_semaphore, #tpu.memory_space<semaphore_mem>>
    %dma_wait3A_289 = arith.constant 0 : i32
    %dma_wait3A_290 = tpu.memref_slice %arg4[%mul3A_278, %dma_wait3A_289] : memref<819200x64xf32, #tpu.memory_space<hbm>> -> memref<256x64xf32, #tpu.memory_space<hbm>>
    %dma_wait3A_291 = arith.constant 0 : i32
    %dma_wait3A_292 = arith.constant 0 : i32
    %dma_wait3A_293 = tpu.memref_slice %arg6[%dma_wait3A_279, %dma_wait3A_291, %dma_wait3A_292] : memref<5x256x64xf32, #tpu.memory_space<vmem>> -> memref<1x256x64xf32, #tpu.memory_space<vmem>>
    %dma_wait3A_294 = tpu.memref_squeeze %dma_wait3A_293 : memref<1x256x64xf32, #tpu.memory_space<vmem>> -> memref<256x64xf32, #tpu.memory_space<vmem>>
    tpu.wait_dma2 semaphore(%dma_wait3A_288 : memref<!tpu.dma_semaphore, #tpu.memory_space<semaphore_mem>>) src(%dma_wait3A_294 : memref<256x64xf32, #tpu.memory_space<vmem>>) dst(%dma_wait3A_290 : memref<256x64xf32, #tpu.memory_space<hbm>>)
    %add3A_295 = arith.constant 97 : i32
    %add3A_296 = arith.addi %mul3A_2, %add3A_295 : i32
    %mul3A_297 = arith.constant 256 : i32
    %mul3A_298 = arith.muli %add3A_296, %mul3A_297 : i32
    %dma_wait3A_299 = arith.constant 2 : i32
    %dma_wait3A_300 = arith.constant 2 : i32
    %dma_wait3A_301 = arith.constant 0 : i32
    %dma_wait3A_302 = arith.constant 0 : i32
    %dma_wait3A_303 = tpu.memref_slice %arg6[%dma_wait3A_299, %dma_wait3A_301, %dma_wait3A_302] : memref<5x256x64xf32, #tpu.memory_space<vmem>> -> memref<1x256x64xf32, #tpu.memory_space<vmem>>
    %dma_wait3A_304 = tpu.memref_squeeze %dma_wait3A_303 : memref<1x256x64xf32, #tpu.memory_space<vmem>> -> memref<256x64xf32, #tpu.memory_space<vmem>>
    %dma_wait3A_305 = arith.constant 0 : i32
    %dma_wait3A_306 = tpu.memref_slice %arg4[%mul3A_298, %dma_wait3A_305] : memref<819200x64xf32, #tpu.memory_space<hbm>> -> memref<256x64xf32, #tpu.memory_space<hbm>>
    %dma_wait3A_307 = tpu.memref_slice %arg8[%dma_wait3A_300] : memref<5x!tpu.dma_semaphore, #tpu.memory_space<semaphore_mem>> -> memref<1x!tpu.dma_semaphore, #tpu.memory_space<semaphore_mem>>
    %dma_wait3A_308 = tpu.memref_squeeze %dma_wait3A_307 : memref<1x!tpu.dma_semaphore, #tpu.memory_space<semaphore_mem>> -> memref<!tpu.dma_semaphore, #tpu.memory_space<semaphore_mem>>
    %dma_wait3A_309 = arith.constant 0 : i32
    %dma_wait3A_310 = tpu.memref_slice %arg4[%mul3A_298, %dma_wait3A_309] : memref<819200x64xf32, #tpu.memory_space<hbm>> -> memref<256x64xf32, #tpu.memory_space<hbm>>
    %dma_wait3A_311 = arith.constant 0 : i32
    %dma_wait3A_312 = arith.constant 0 : i32
    %dma_wait3A_313 = tpu.memref_slice %arg6[%dma_wait3A_299, %dma_wait3A_311, %dma_wait3A_312] : memref<5x256x64xf32, #tpu.memory_space<vmem>> -> memref<1x256x64xf32, #tpu.memory_space<vmem>>
    %dma_wait3A_314 = tpu.memref_squeeze %dma_wait3A_313 : memref<1x256x64xf32, #tpu.memory_space<vmem>> -> memref<256x64xf32, #tpu.memory_space<vmem>>
    tpu.wait_dma2 semaphore(%dma_wait3A_308 : memref<!tpu.dma_semaphore, #tpu.memory_space<semaphore_mem>>) src(%dma_wait3A_314 : memref<256x64xf32, #tpu.memory_space<vmem>>) dst(%dma_wait3A_310 : memref<256x64xf32, #tpu.memory_space<hbm>>)
    %add3A_315 = arith.constant 98 : i32
    %add3A_316 = arith.addi %mul3A_2, %add3A_315 : i32
    %mul3A_317 = arith.constant 256 : i32
    %mul3A_318 = arith.muli %add3A_316, %mul3A_317 : i32
    %dma_wait3A_319 = arith.constant 3 : i32
    %dma_wait3A_320 = arith.constant 3 : i32
    %dma_wait3A_321 = arith.constant 0 : i32
    %dma_wait3A_322 = arith.constant 0 : i32
    %dma_wait3A_323 = tpu.memref_slice %arg6[%dma_wait3A_319, %dma_wait3A_321, %dma_wait3A_322] : memref<5x256x64xf32, #tpu.memory_space<vmem>> -> memref<1x256x64xf32, #tpu.memory_space<vmem>>
    %dma_wait3A_324 = tpu.memref_squeeze %dma_wait3A_323 : memref<1x256x64xf32, #tpu.memory_space<vmem>> -> memref<256x64xf32, #tpu.memory_space<vmem>>
    %dma_wait3A_325 = arith.constant 0 : i32
    %dma_wait3A_326 = tpu.memref_slice %arg4[%mul3A_318, %dma_wait3A_325] : memref<819200x64xf32, #tpu.memory_space<hbm>> -> memref<256x64xf32, #tpu.memory_space<hbm>>
    %dma_wait3A_327 = tpu.memref_slice %arg8[%dma_wait3A_320] : memref<5x!tpu.dma_semaphore, #tpu.memory_space<semaphore_mem>> -> memref<1x!tpu.dma_semaphore, #tpu.memory_space<semaphore_mem>>
    %dma_wait3A_328 = tpu.memref_squeeze %dma_wait3A_327 : memref<1x!tpu.dma_semaphore, #tpu.memory_space<semaphore_mem>> -> memref<!tpu.dma_semaphore, #tpu.memory_space<semaphore_mem>>
    %dma_wait3A_329 = arith.constant 0 : i32
    %dma_wait3A_330 = tpu.memref_slice %arg4[%mul3A_318, %dma_wait3A_329] : memref<819200x64xf32, #tpu.memory_space<hbm>> -> memref<256x64xf32, #tpu.memory_space<hbm>>
    %dma_wait3A_331 = arith.constant 0 : i32
    %dma_wait3A_332 = arith.constant 0 : i32
    %dma_wait3A_333 = tpu.memref_slice %arg6[%dma_wait3A_319, %dma_wait3A_331, %dma_wait3A_332] : memref<5x256x64xf32, #tpu.memory_space<vmem>> -> memref<1x256x64xf32, #tpu.memory_space<vmem>>
    %dma_wait3A_334 = tpu.memref_squeeze %dma_wait3A_333 : memref<1x256x64xf32, #tpu.memory_space<vmem>> -> memref<256x64xf32, #tpu.memory_space<vmem>>
    tpu.wait_dma2 semaphore(%dma_wait3A_328 : memref<!tpu.dma_semaphore, #tpu.memory_space<semaphore_mem>>) src(%dma_wait3A_334 : memref<256x64xf32, #tpu.memory_space<vmem>>) dst(%dma_wait3A_330 : memref<256x64xf32, #tpu.memory_space<hbm>>)
    %add3A_335 = arith.constant 99 : i32
    %add3A_336 = arith.addi %mul3A_2, %add3A_335 : i32
    %mul3A_337 = arith.constant 256 : i32
    %mul3A_338 = arith.muli %add3A_336, %mul3A_337 : i32
    %dma_wait3A_339 = arith.constant 4 : i32
    %dma_wait3A_340 = arith.constant 4 : i32
    %dma_wait3A_341 = arith.constant 0 : i32
    %dma_wait3A_342 = arith.constant 0 : i32
    %dma_wait3A_343 = tpu.memref_slice %arg6[%dma_wait3A_339, %dma_wait3A_341, %dma_wait3A_342] : memref<5x256x64xf32, #tpu.memory_space<vmem>> -> memref<1x256x64xf32, #tpu.memory_space<vmem>>
    %dma_wait3A_344 = tpu.memref_squeeze %dma_wait3A_343 : memref<1x256x64xf32, #tpu.memory_space<vmem>> -> memref<256x64xf32, #tpu.memory_space<vmem>>
    %dma_wait3A_345 = arith.constant 0 : i32
    %dma_wait3A_346 = tpu.memref_slice %arg4[%mul3A_338, %dma_wait3A_345] : memref<819200x64xf32, #tpu.memory_space<hbm>> -> memref<256x64xf32, #tpu.memory_space<hbm>>
    %dma_wait3A_347 = tpu.memref_slice %arg8[%dma_wait3A_340] : memref<5x!tpu.dma_semaphore, #tpu.memory_space<semaphore_mem>> -> memref<1x!tpu.dma_semaphore, #tpu.memory_space<semaphore_mem>>
    %dma_wait3A_348 = tpu.memref_squeeze %dma_wait3A_347 : memref<1x!tpu.dma_semaphore, #tpu.memory_space<semaphore_mem>> -> memref<!tpu.dma_semaphore, #tpu.memory_space<semaphore_mem>>
    %dma_wait3A_349 = arith.constant 0 : i32
    %dma_wait3A_350 = tpu.memref_slice %arg4[%mul3A_338, %dma_wait3A_349] : memref<819200x64xf32, #tpu.memory_space<hbm>> -> memref<256x64xf32, #tpu.memory_space<hbm>>
    %dma_wait3A_351 = arith.constant 0 : i32
    %dma_wait3A_352 = arith.constant 0 : i32
    %dma_wait3A_353 = tpu.memref_slice %arg6[%dma_wait3A_339, %dma_wait3A_351, %dma_wait3A_352] : memref<5x256x64xf32, #tpu.memory_space<vmem>> -> memref<1x256x64xf32, #tpu.memory_space<vmem>>
    %dma_wait3A_354 = tpu.memref_squeeze %dma_wait3A_353 : memref<1x256x64xf32, #tpu.memory_space<vmem>> -> memref<256x64xf32, #tpu.memory_space<vmem>>
    tpu.wait_dma2 semaphore(%dma_wait3A_348 : memref<!tpu.dma_semaphore, #tpu.memory_space<semaphore_mem>>) src(%dma_wait3A_354 : memref<256x64xf32, #tpu.memory_space<vmem>>) dst(%dma_wait3A_350 : memref<256x64xf32, #tpu.memory_space<hbm>>)
    return
  }
}

</mosaic_0001>

<sc_bundles>
// kernel: kernel.3.cloned.1.call-start
scs
__scs_entry_jumppad:
0x0: {  	(pc) =	sbr.rel $0x88, $3  }
0x1: {  	(tag) =	ssettag $0x0;
	lr =	simm.s32 $0x1  }
0x2: {  	[smem:$0x3F9F] =	sst lr;
	_ =	strace $0xD0000000  }
0x3: {  	_ = 	snop  }
0x4: {  	_ = 	snop  }
0x5: {  	_ = 	snop  }
0x6: {  	_ = 	snop  }
0x7: {  	_ = 	snop  }
__scs_overlays_trampoline_lowered:
0x8: {  	[smem:$0x3FAE] =	sst s0  }
0x9: {  	[smem:$0x3FAF] =	sst s1  }
0xa: {  	[smem:$0x3FB0] =	sst s2  }
0xb: {  	[smem:$0x3FB1] =	sst s3  }
0xc: {  	[smem:$0x3FB2] =	sst s4  }
0xd: {  	[smem:$0x3FB3] =	sst s5  }
0xe: {  	[smem:$0x3FB4] =	sst s6  }
0xf: {  	[smem:$0x3FB5] =	sst s7  }
0x10: {  	[smem:$0x3FB6] =	sst s8  }
0x11: {  	[smem:$0x3FB7] =	sst s9;
	s0 =	simm.s32 @!p0 $0x0  }
0x12: {  	s1 =	sld [smem:$0x3F9D];
	s0 =	simm.s32 @p0 $0x1  }
0x13: {  	[smem:$0x3FB8] =	sst s0;
	s0 =	simm.s32 @!p1 $0x0  }
0x14: {  	s2 =	sld [smem:$0x3F9C];
	s0 =	simm.s32 @p1 $0x1  }
0x15: {  	[smem:$0x3FB9] =	sst s0;
	s0 =	simm.s32 @!p2 $0x0  }
0x16: {  	s3 =	sld [smem:$0x3FDB];
	s0 =	simm.s32 @p2 $0x1  }
0x17: {  	s4 =	simm.s32 $0x1BF5;
	[smem:$0x3FBB] =	sst s0  }
0x18: {  	s0 =	sld [smem:$0x3F9E];
	_ =	swait.ge [sflag:s4], $0x0  }
0x19: {  	s7 =	sld [smem:$0x3F9F]  }
0x1a: {  	s8 =	sadd.s32 $0xFFFFE003, lr  }
0x1b: {  	s9 =	sadd.s32 $0xFFFFFEF7, lr;
	s5 =	simm.s32 $0xFFFFFFFF;
	p2 =	slt.u32 s8, $0xFFFFF086  }
0x1c: {  	p1 =	slt.u32 s9, $0xF7A;
	s5 =	simm.s32 @!p2 $0x0  }
0x1d: {  	s5 =	simm.s32 @p1 $0x1;
	p0 =	seq.s32 s7, s2  }
0x1e: {  	s7 =	smul.u32 @!p0 $0xF7A, s2;
	p2 =	seq.s32 @!p0 s5, $0x0  }
0x1f: {  	s9 =	smul.u32 $0xF7A, s1;
	s8 =	simm.s32 @!p0 $0x1BF5;
	p2 =	por !p2, p0  }
0x20: {  	[sflag:s8] =	ssyncset.s32 @!p0 $0xFFFFF086;
	s6 =	sadd.s32 @!p0 s3, s7;
	s7 =	simm.s32 @!p0 $0x108  }
0x21: {  	s3 =	sadd.s32 s3, s9;
	s6 =	sadd.s32 @!p0 $0x88, s6;
	s7 =	simm.s32 @p2 $0x1082  }
0x22: {  	[simem:s7], [sflag:s8] =	dma.local @!p0 [hbm:s6], $0xF7A  }
0x23: {  	s9 =	sor.u32 $0xD0000000, s2;
	s6 =	simm.s32 $0x108;
	_ =	swait.ge @!p0 [sflag:s8], $0x0  }
0x24: {  	s3 =	sadd.s32 $0x88, s3;
	s6 =	simm.s32 @!p1 $0x1082;
	[sflag:s4] =	ssyncset.s32 $0xFFFFF086  }
0x25: {  	[simem:s6], [sflag:s4] =	dma.local [hbm:s3], $0xF7A  }
0x26: {  	[smem:$0x3F9F] =	sst s1;
	(tag) =	ssettag s2;
	_ =	strace s9  }
0x27: {  	s1 =	sld [smem:$0x3FAF]  }
0x28: {  	s2 =	sld [smem:$0x3FB0]  }
0x29: {  	s4 =	sld [smem:$0x3FB2]  }
0x2a: {  	p0 =	seq.s32 s5, $0x0;
	s5 =	sld [smem:$0x3FB3]  }
0x2b: {  	s6 =	sld [smem:$0x3FB4]  }
0x2c: {  	s7 =	sld [smem:$0x3FB5]  }
0x2d: {  	s3 =	simm.s32 $0x108;
	s8 =	sld [smem:$0x3FB6]  }
0x2e: {  	s3 =	simm.s32 @!p0 $0x1082;
	s9 =	sld [smem:$0x3FB7]  }
0x2f: {  	lr =	sadd.s32 s0, s3;
	s0 =	sld [smem:$0x3FAE]  }
0x30: {  	s3 =	sld [smem:$0x3FB1]  }
0x31: {  	[smem:$0x3FBA] =	sst s10  }
0x32: {  	s10 =	sld [smem:$0x3FB8];
	_ =	sdelay $0x3  }
0x33: {  	p0 =	seq.s32 s10, $0x1;
	s10 =	sld [smem:$0x3FBA];
	_ =	sdelay $0x3  }
0x34: {  	[smem:$0x3FBA] =	sst s10  }
0x35: {  	s10 =	sld [smem:$0x3FB9];
	_ =	sdelay $0x3  }
0x36: {  	p1 =	seq.s32 s10, $0x1;
	s10 =	sld [smem:$0x3FBA];
	_ =	sdelay $0x3  }
0x37: {  	[smem:$0x3FBA] =	sst s10  }
0x38: {  	s10 =	sld [smem:$0x3FBB]  }
0x39: {  	_ = 	snop;
	(pc) =	sbr.ind lr, $3  }
0x3a: {  	_ = 	snop  }
0x3b: {  	_ = 	snop  }
0x3c: {  	p2 =	seq.s32 s10, $0x1;
	s10 =	sld [smem:$0x3FBA]  }
0x3d: {  	_ =	shalt  }
0x3e: {  	_ =	shalt  }
0x3f: {  	_ =	shalt  }
0x40: {  	_ =	shalt  }
0x41: {  	_ =	shalt  }
0x42: {  	_ =	shalt  }
0x43: {  	_ =	shalt  }
0x44: {  	_ =	shalt  }
0x45: {  	_ =	shalt  }
0x46: {  	_ =	shalt  }
0x47: {  	_ =	shalt  }
0x48: {  	_ =	shalt  }
0x49: {  	_ =	shalt  }
0x4a: {  	_ =	shalt  }
0x4b: {  	_ =	shalt  }
0x4c: {  	_ =	shalt  }
0x4d: {  	_ =	shalt  }
0x4e: {  	_ =	shalt  }
0x4f: {  	_ =	shalt  }
0x50: {  	_ =	shalt  }
0x51: {  	_ =	shalt  }
0x52: {  	_ =	shalt  }
0x53: {  	_ =	shalt  }
0x54: {  	_ =	shalt  }
0x55: {  	_ =	shalt  }
0x56: {  	_ =	shalt  }
0x57: {  	_ =	shalt  }
0x58: {  	_ =	shalt  }
0x59: {  	_ =	shalt  }
0x5a: {  	_ =	shalt  }
0x5b: {  	_ =	shalt  }
0x5c: {  	_ =	shalt  }
0x5d: {  	_ =	shalt  }
0x5e: {  	_ =	shalt  }
0x5f: {  	_ =	shalt  }
0x60: {  	_ =	shalt  }
0x61: {  	_ =	shalt  }
0x62: {  	_ =	shalt  }
0x63: {  	_ =	shalt  }
0x64: {  	_ =	shalt  }
0x65: {  	_ =	shalt  }
0x66: {  	_ =	shalt  }
0x67: {  	_ =	shalt  }
0x68: {  	_ =	shalt  }
0x69: {  	_ =	shalt  }
0x6a: {  	_ =	shalt  }
0x6b: {  	_ =	shalt  }
0x6c: {  	_ =	shalt  }
0x6d: {  	_ =	shalt  }
0x6e: {  	_ =	shalt  }
0x6f: {  	_ =	shalt  }
0x70: {  	_ =	shalt  }
0x71: {  	_ =	shalt  }
0x72: {  	_ =	shalt  }
0x73: {  	_ =	shalt  }
0x74: {  	_ =	shalt  }
0x75: {  	_ =	shalt  }
0x76: {  	_ =	shalt  }
0x77: {  	_ =	shalt  }
0x78: {  	_ =	shalt  }
0x79: {  	_ =	shalt  }
0x7a: {  	_ =	shalt  }
0x7b: {  	_ =	shalt  }
0x7c: {  	_ =	shalt  }
0x7d: {  	_ =	shalt  }
0x7e: {  	_ =	shalt  }
0x7f: {  	_ =	shalt  }
0x80: {  	_ =	shalt  }
0x81: {  	_ =	shalt  }
0x82: {  	_ =	shalt  }
0x83: {  	_ =	shalt  }
0x84: {  	_ =	shalt  }
0x85: {  	_ =	shalt  }
0x86: {  	_ =	shalt  }
0x87: {  	_ =	shalt  }
.Lfunc_end0:
.L_simem_size_0:
called_computation.1_lowered:
.L_overlay_start_0:
0x88: {  	s2 =	sld [smem:$0x3FD9]  }
0x89: {  	s3 =	sld [smem:$0x3FFE];
	_ =	sdelay $0x1  }
0x8a: {  	s1 =	srdreg.scid  }
0x8b: {  	s0 =	sand.u32 $0x1, s1  }
0x8c: {  	s17 =	sshll.u32 s0, $0xA;
	s2 =	sadd.s32 s3, s2  }
0x8d: {  	s2 =	sadd.s32 s2, s17  }
0x8e: {  	[smem:$0x3FC6] =	sst s2  }
0x8f: {  	_ = 	snop  }
0x90: {  	s2 =	sld [smem:$0x3FD0];
	(tm) =	ssettm $0x1  }
0x91: {  	s18 =	sld [smem:$0x3FFB];
	_ =	sdelay $0x3  }
0x92: {  	_ =	strace s18  }
0x93: {  	s3 =	sld [smem:$0x3FFC];
	_ =	sdelay $0x3  }
0x94: {  	_ =	strace s3  }
0x95: {  	s3 =	sld [smem:$0x3FFD];
	_ =	sdelay $0x3  }
0x96: {  	_ =	strace s3  }
0x97: {  	_ =	strace $0x8FFFFFFF  }
0x98: {  	s19 =	sld [smem:$0x3FDB];
	_ =	sdelay $0x1  }
0x99: {  	s4 =	simm.s32 $_scs_section_size  }
0x9a: {  	s5 =	simm.s32 $_size__tile_overlayer_lowered;
	s6 =	simm.s32 $_tile_overlayer_lowered  }
0x9b: {  	s22 =	simm.s32 $0x1BFF;
	s21 =	sshll.u32 s6, $0x1;
	s3 =	sadd.s32 s4, s19  }
0x9c: {  	s7 =	simm.s32 $0x0;
	s20 =	sshll.u32 s5, $0x1;
	s5 =	sadd.s32 s21, s3  }
0x9d: {  	[timem:s7], [sflag:s22] =	dma.local [hbm:s5], s20  }
0x9e: {  	_ =	swait.ge [sflag:s22], s20  }
0x9f: {  	s4 =	ssub.s32 $0x0, s20;
	[sflag:s22] =	ssyncset.done $0x0  }
0xa0: {  	[sflag:s22] =	ssyncadd.s32 s4;
	_ =	sdelay $0x1  }
0xa1: {  	s23 =	simm.s32 $0x1B8B  }
0xa2: {  	_ =	swait.ge [sflag:s23], $0x1  }
0xa3: {  	[sflag:s23] =	ssyncset.done $0x0  }
0xa4: {  	s25 =	simm.s32 $0x1B8E;
	s24 =	sld [smem:$0x3FFE];
	[sflag:s23] =	ssyncadd.s32 $0xFFFFFFFF  }
0xa5: {  	s26 =	simm.s32 $execute0_lowered;
	[smem:$0x3FD2] =	sst s25  }
0xa6: {  	s5 =	sshll.u32 s26, $0x1;
	_ =	strace $0x80000046;
	[dreg:$0x1] =	wrdreg $0xFFFFFFFF  }
0xa7: {  	s28 =	simm.s32 $_size_execute0_lowered;
	s3 =	sadd.s32 s3, s5;
	[dreg:$0x0] =	wrdreg $0x0  }
0xa8: {  	s5 =	sshll.u32 s28, $0x1;
	[dreg:$0x2] =	wrdreg s3  }
0xa9: {  	[dreg:$0x3] =	wrdreg s5  }
0xaa: {  	[dreg:$0x4] =	wrdreg $0xC0  }
0xab: {  	_ =	task [dreg:s7], $0x5FFFF  }
0xac: {  	[dreg:$0x1] =	wrdreg $0xFFFFFFFF  }
0xad: {  	[dreg:$0x0] =	wrdreg $0x60  }
0xae: {  	[dreg:$0x2] =	wrdreg s24  }
0xaf: {  	[dreg:$0x3] =	wrdreg s2  }
0xb0: {  	[dreg:$0x4] =	wrdreg $0x9  }
0xb1: {  	_ =	task.clear_ibuf [dreg:s7], $0x5FFFF;
	_ =	strace $0x90000046  }
0xb2: {  	s29 =	simm.s32 $0x9;
	_ =	strace $0x80000048  }
0xb3: {  	_ =	swait.ge [sflag:s29], $0x1  }
0xb4: {  	[sflag:s29] =	ssyncadd.s32 $0xFFFFFFFF  }
0xb5: {  	_ =	strace $0x90000048  }
0xb6: {  	_ =	sfence  }
0xb7: {  	s30 =	sld [smem:$0x0];
	_ =	sdelay $0x2  }
0xb8: {  	s31 =	sshll.u32 s1, $0xD;
	s1 =	sshrl.u32 s1, $0x2  }
0xb9: {  	s3 =	sand.u32 $0x4000, s31;
	s1 =	sadd.s32 s1, s30  }
0xba: {  	s0 =	sor.u32 s3, s0;
	s1 =	sshll.u32 s1, $0x11  }
0xbb: {  	s0 =	sor.u32 s1, s0  }
0xbc: {  	s0 =	sadd.s32 $0x8F2B, s0  }
0xbd: {  	[sflag:s0] =	ssyncadd.remote.s32 $0x1  }
0xbe: {  	_ =	sfence.sel $0xFFFF  }
0xbf: {  	[dreg:$0x0] =	wrdreg $0xFFFFFFFF;
	(pc) =	sbr.abs _section_cstart, $3  }
0xc0: {  	[dreg:$0x1] =	wrdreg $0xFFFFFFFF  }
0xc1: {  	_ =	task.clear_ibuf [dreg:s7], $0x2FFFF;
	_ =	strace $0x9FFFFFFF  }
0xc2: {  	(tm) =	ssettm $0x7FFFFFFF  }
0xc3: {  	_ =	shalt  }
tec
execute0_lowered:
.L_overlay_start_1:
0x0: {  	(tag) =	ssettag $0x1  }
0x1: {  	s0 =	srdreg.scid;
	s4 =	rddreg [dreg:$0x0]  }
0x2: {  	s8 =	stileid.u32;
	s2 =	rddreg [dreg:$0x1]  }
0x3: {  	s3 =	simm.s32 $0x0;
	s13 =	simm.s32 $0xB;
	s14 =	simm.s32 $0x100  }
0x4: {  	s15 =	simm.s32 $0x6400;
	s16 =	simm.s32 $0xA400;
	s18 =	simm.s32 $0xE400  }
0x5: {  	s20 =	simm.s32 $0x12400;
	s21 =	simm.s32 $0x1;
	s28 =	simm.s32 $0x7  }
0x6: {  	s29 =	simm.s32 $0x4;
	s30 =	simm.s32 $0x8;
	s31 =	simm.s32 $0x5  }
0x7: {  	s0 =	sand.u32 $0x1, s0;
	s1 =	sshll.u32 s8, $0x1;
	s8 =	smul.u32 $0xC8, s8  }
0x8: {  	s1 =	sor.u32 s0, s1;
	s7 =	ssub.s32 $0x2, s0;
	s0 =	smul.u32 $0x64, s0  }
0x9: {  	s17 =	simm.s32 $0x0;
	[smem:$0x7FF] =	sst s3;
	s5 =	smul.u32 $0xC80, s1  }
0xa: {  	_ =	strace $0x80000047;
	s6 =	smul.u32 $0x32000, s1;
	s9 =	sshrl.u32 s7, $0x1  }
0xb: {  	s1 =	smul.u32 $0x190000, s1;
	s12 =	ssub.s32 s7, s9;
	s0 =	sadd.s32 s0, s8  }
0xc: {  	s5 =	sadd.s32 s5, s4;
	s4 =	sadd.s32 $0xF42E00, s4;
	s6 =	sadd.s32 s2, s6  }
0xd: {  	s1 =	sshrl.u32 s1, $0x3;
	s8 =	sshll.u32 s0, $0xB;
	s12 =	smax.u32 s12, $0x1  }
0xe: {  	s0 =	simm.s32 $0xA;
	s5 =	sadd.s32 $0xA00, s5;
	s23 =	sadd.s32 $0x800, s6  }
0xf: {  	s1 =	sadd.s32 s2, s1;
	s26 =	sadd.s32 $0x2000, s8;
	[dreg:$0x4] =	wrdreg s5  }
0x10: {  	[dreg:$0x5] =	wrdreg s23;
	s24 =	sadd.s32 $0x30800, s1;
	s25 =	sadd.s32 $0x31000, s1  }
0x11: {  	s11 =	sadd.s32 $0x31800, s1;
	[dreg:$0x3] =	wrdreg s26;
	s23 =	simm.s32 $0x16400  }
0x12: {  	s26 =	simm.s32 $0x3;
	s1 =	simm.s32 $0x9;
	[dreg:$0x6] =	wrdreg s24  }
0x13: {  	[dreg:$0x7] =	wrdreg s25;
	s24 =	simm.s32 $0x2;
	s25 =	simm.s32 $0x6  }
.LBB2_1:
0x14: {  	s5 =	rddreg [dreg:$0x4]  }
0x15: {  	[tilespmem:s3], [sflag:$0xB] =	stream.linear.gather [hbm4b:s5+s3], $0x6400, $0x38;
	[tilespmem:$0x1A400] =	vst v63  }
0x16: {  	_ =	swait.ge [sflag:s13], $0x6400  }
0x17: {  	[sflag:s13] =	ssyncset.done $0x0  }
0x18: {  	[sflag:s13] =	ssyncadd.s32 $0xFFFF9C00  }
0x19: {  	[tilespmem:s15], [sflag:$0x1] =	stream.indirect.gather [hbm4b:s4+s14], $0x40, s3, s14, $0xb8;
	[tilespmem:$0x1A400] =	vst v63  }
0x1a: {  	_ = 	snop  }
0x1b: {  	[tilespmem:s16], [sflag:$0x2] =	stream.indirect.gather [hbm4b:s4+s14], $0x40, s14, s14, $0xb8;
	[tilespmem:$0x1A400] =	vst v63  }
0x1c: {  	s10 =	simm.s32 $0x200  }
0x1d: {  	[tilespmem:s18], [sflag:$0x3] =	stream.indirect.gather [hbm4b:s4+s14], $0x40, s10, s14, $0xb8;
	[tilespmem:$0x1A400] =	vst v63  }
0x1e: {  	s19 =	simm.s32 $0x300  }
0x1f: {  	[tilespmem:s20], [sflag:$0x4] =	stream.indirect.gather [hbm4b:s4+s14], $0x40, s19, s14, $0xb8;
	[tilespmem:$0x1A400] =	vst v63  }
0x20: {  	_ =	swait.ge [sflag:s21], $0x4000  }
0x21: {  	[sflag:s21] =	ssyncset.done $0x0  }
0x22: {  	[sflag:s21] =	ssyncadd.s32 $0xFFFFC000  }
0x23: {  	[hbm4b:s6+s3] =	stream.linear.scatter [tilespmem:s15], [sflag:$0x6], $0x4000, $0x38;
	[tilespmem:$0x1A400] =	vst v63  }
0x24: {  	s22 =	simm.s32 $0x400  }
0x25: {  	[tilespmem:s23], [sflag:$0x5] =	stream.indirect.gather [hbm4b:s4+s14], $0x40, s22, s14, $0xb8;
	[tilespmem:$0x1A400] =	vst v63  }
0x26: {  	_ =	swait.ge [sflag:s24], $0x4000  }
0x27: {  	[sflag:s24] =	ssyncset.done $0x0  }
0x28: {  	s7 =	rddreg [dreg:$0x5];
	[sflag:s24] =	ssyncadd.s32 $0xFFFFC000  }
0x29: {  	[hbm4b:s7+s3] =	stream.linear.scatter [tilespmem:s16], [sflag:$0x7], $0x4000, $0x38;
	[tilespmem:$0x1A400] =	vst v63  }
0x2a: {  	_ =	swait.ge [sflag:s25], $0x4000  }
0x2b: {  	[sflag:s25] =	ssyncset.done $0x0  }
0x2c: {  	s9 =	simm.s32 $0x500;
	[sflag:s25] =	ssyncadd.s32 $0xFFFFC000  }
0x2d: {  	[tilespmem:s15], [sflag:$0x1] =	stream.indirect.gather [hbm4b:s4+s14], $0x40, s9, s14, $0xb8;
	[tilespmem:$0x1A400] =	vst v63  }
0x2e: {  	_ =	swait.ge [sflag:s26], $0x4000  }
0x2f: {  	s5 =	sadd.s32 s2, s8;
	[sflag:s26] =	ssyncset.done $0x0  }
0x30: {  	s19 =	sadd.s32 $0x1000, s5;
	[sflag:s26] =	ssyncadd.s32 $0xFFFFC000  }
0x31: {  	[hbm4b:s19+s3] =	stream.linear.scatter [tilespmem:s18], [sflag:$0x8], $0x4000, $0x38;
	[tilespmem:$0x1A400] =	vst v63  }
0x32: {  	_ =	swait.ge [sflag:s28], $0x4000  }
0x33: {  	[sflag:s28] =	ssyncset.done $0x0  }
0x34: {  	s10 =	simm.s32 $0x600;
	[sflag:s28] =	ssyncadd.s32 $0xFFFFC000  }
0x35: {  	[tilespmem:s16], [sflag:$0x2] =	stream.indirect.gather [hbm4b:s4+s14], $0x40, s10, s14, $0xb8;
	[tilespmem:$0x1A400] =	vst v63  }
0x36: {  	_ =	swait.ge [sflag:s29], $0x4000  }
0x37: {  	[sflag:s29] =	ssyncset.done $0x0  }
0x38: {  	s22 =	sadd.s32 $0x1800, s5;
	[sflag:s29] =	ssyncadd.s32 $0xFFFFC000  }
0x39: {  	[hbm4b:s22+s3] =	stream.linear.scatter [tilespmem:s20], [sflag:$0x9], $0x4000, $0x38;
	[tilespmem:$0x1A400] =	vst v63  }
0x3a: {  	_ =	swait.ge [sflag:s30], $0x4000  }
0x3b: {  	[sflag:s30] =	ssyncset.done $0x0  }
0x3c: {  	s7 =	simm.s32 $0x700;
	[sflag:s30] =	ssyncadd.s32 $0xFFFFC000  }
0x3d: {  	[tilespmem:s18], [sflag:$0x3] =	stream.indirect.gather [hbm4b:s4+s14], $0x40, s7, s14, $0xb8;
	[tilespmem:$0x1A400] =	vst v63  }
0x3e: {  	_ =	swait.ge [sflag:s31], $0x4000  }
0x3f: {  	s9 =	rddreg [dreg:$0x3];
	[sflag:s31] =	ssyncset.done $0x0  }
0x40: {  	[sflag:s31] =	ssyncadd.s32 $0xFFFFC000;
	s22 =	sadd.s32 s2, s9  }
0x41: {  	[hbm4b:s22+s3] =	stream.linear.scatter [tilespmem:s23], [sflag:$0xA], $0x4000, $0x38;
	[tilespmem:$0x1A400] =	vst v63  }
0x42: {  	_ =	swait.ge [sflag:s1], $0x4000  }
0x43: {  	[sflag:s1] =	ssyncset.done $0x0  }
0x44: {  	s10 =	simm.s32 $0x800;
	[sflag:s1] =	ssyncadd.s32 $0xFFFFC000  }
0x45: {  	[tilespmem:s20], [sflag:$0x4] =	stream.indirect.gather [hbm4b:s4+s14], $0x40, s10, s14, $0xb8;
	[tilespmem:$0x1A400] =	vst v63  }
0x46: {  	_ =	swait.ge [sflag:s21], $0x4000  }
0x47: {  	[sflag:s21] =	ssyncset.done $0x0  }
0x48: {  	s5 =	sadd.s32 $0x2800, s5;
	[sflag:s21] =	ssyncadd.s32 $0xFFFFC000  }
0x49: {  	[hbm4b:s5+s3] =	stream.linear.scatter [tilespmem:s15], [sflag:$0x6], $0x4000, $0x38;
	[tilespmem:$0x1A400] =	vst v63  }
0x4a: {  	_ =	swait.ge [sflag:s0], $0x4000  }
0x4b: {  	[sflag:s0] =	ssyncset.done $0x0  }
0x4c: {  	s19 =	simm.s32 $0x900;
	[sflag:s0] =	ssyncadd.s32 $0xFFFFC000  }
0x4d: {  	[tilespmem:s23], [sflag:$0x5] =	stream.indirect.gather [hbm4b:s4+s14], $0x40, s19, s14, $0xb8;
	[tilespmem:$0x1A400] =	vst v63  }
0x4e: {  	_ =	swait.ge [sflag:s24], $0x4000  }
0x4f: {  	s5 =	sadd.s32 $0x1000, s22;
	[sflag:s24] =	ssyncset.done $0x0  }
0x50: {  	s22 =	sadd.s32 $0x2800, s2;
	s19 =	simm.s32 $0x1400;
	[sflag:s24] =	ssyncadd.s32 $0xFFFFC000  }
.LBB2_2:
0x51: {  	[hbm4b:s5+s3] =	stream.linear.scatter [tilespmem:s16], [sflag:$0x7], $0x4000, $0x38;
	[tilespmem:$0x1A400] =	vst v63  }
0x52: {  	s9 =	smov.u32 s19;
	_ =	swait.ge [sflag:s25], $0x4000  }
0x53: {  	s5 =	sshra.s32 s9, $0x2;
	[sflag:s25] =	ssyncset.done $0x0  }
0x54: {  	s7 =	sadd.s32 $0x500, s5;
	[sflag:s25] =	ssyncadd.s32 $0xFFFFC000  }
0x55: {  	[tilespmem:s15], [sflag:$0x1] =	stream.indirect.gather [hbm4b:s4+s14], $0x40, s7, s14, $0xb8;
	[tilespmem:$0x1A400] =	vst v63  }
0x56: {  	_ =	swait.ge [sflag:s26], $0x4000  }
0x57: {  	s7 =	sadd.s32 s22, s8;
	[sflag:s26] =	ssyncset.done $0x0  }
0x58: {  	s9 =	sadd.s32 $0x1000, s7;
	[sflag:s26] =	ssyncadd.s32 $0xFFFFC000  }
0x59: {  	[hbm4b:s9+s3] =	stream.linear.scatter [tilespmem:s18], [sflag:$0x8], $0x4000, $0x38;
	[tilespmem:$0x1A400] =	vst v63  }
0x5a: {  	_ =	swait.ge [sflag:s28], $0x4000  }
0x5b: {  	[sflag:s28] =	ssyncset.done $0x0  }
0x5c: {  	s10 =	sadd.s32 $0x600, s5;
	[sflag:s28] =	ssyncadd.s32 $0xFFFFC000  }
0x5d: {  	[tilespmem:s16], [sflag:$0x2] =	stream.indirect.gather [hbm4b:s4+s14], $0x40, s10, s14, $0xb8;
	[tilespmem:$0x1A400] =	vst v63  }
0x5e: {  	_ =	swait.ge [sflag:s29], $0x4000  }
0x5f: {  	[sflag:s29] =	ssyncset.done $0x0  }
0x60: {  	s10 =	sadd.s32 $0x1800, s7;
	[sflag:s29] =	ssyncadd.s32 $0xFFFFC000  }
0x61: {  	[hbm4b:s10+s3] =	stream.linear.scatter [tilespmem:s20], [sflag:$0x9], $0x4000, $0x38;
	[tilespmem:$0x1A400] =	vst v63  }
0x62: {  	_ =	swait.ge [sflag:s30], $0x4000  }
0x63: {  	[sflag:s30] =	ssyncset.done $0x0  }
0x64: {  	s10 =	sadd.s32 $0x700, s5;
	[sflag:s30] =	ssyncadd.s32 $0xFFFFC000  }
0x65: {  	[tilespmem:s18], [sflag:$0x3] =	stream.indirect.gather [hbm4b:s4+s14], $0x40, s10, s14, $0xb8;
	[tilespmem:$0x1A400] =	vst v63  }
0x66: {  	_ =	swait.ge [sflag:s31], $0x4000  }
0x67: {  	s10 =	rddreg [dreg:$0x3];
	[sflag:s31] =	ssyncset.done $0x0  }
0x68: {  	[sflag:s31] =	ssyncadd.s32 $0xFFFFC000;
	s9 =	sadd.s32 s22, s10  }
0x69: {  	[hbm4b:s9+s3] =	stream.linear.scatter [tilespmem:s23], [sflag:$0xA], $0x4000, $0x38;
	[tilespmem:$0x1A400] =	vst v63  }
0x6a: {  	_ =	swait.ge [sflag:s1], $0x4000  }
0x6b: {  	[sflag:s1] =	ssyncset.done $0x0  }
0x6c: {  	s10 =	sadd.s32 $0x800, s5;
	[sflag:s1] =	ssyncadd.s32 $0xFFFFC000  }
0x6d: {  	[tilespmem:s20], [sflag:$0x4] =	stream.indirect.gather [hbm4b:s4+s14], $0x40, s10, s14, $0xb8;
	[tilespmem:$0x1A400] =	vst v63  }
0x6e: {  	_ =	swait.ge [sflag:s21], $0x4000  }
0x6f: {  	[sflag:s21] =	ssyncset.done $0x0  }
0x70: {  	s7 =	sadd.s32 $0x2800, s7;
	[sflag:s21] =	ssyncadd.s32 $0xFFFFC000  }
0x71: {  	[hbm4b:s7+s3] =	stream.linear.scatter [tilespmem:s15], [sflag:$0x6], $0x4000, $0x38;
	[tilespmem:$0x1A400] =	vst v63  }
0x72: {  	_ =	swait.ge [sflag:s0], $0x4000  }
0x73: {  	p0 =	sne.s32 s19, $0x16800;
	[sflag:s0] =	ssyncset.done $0x0  }
.Ltmp0:
0x74: {  	s5 =	sadd.s32 $0x900, s5;
	[sflag:s0] =	ssyncadd.s32 $0xFFFFC000;
	(pc) =	sbr.rel @p0 .LBB2_2-.Ltmp0, $4  }
0x75: {  	[tilespmem:s23], [sflag:$0x5] =	stream.indirect.gather [hbm4b:s4+s14], $0x40, s5, s14, $0xb8;
	[tilespmem:$0x1A400] =	vst v63  }
0x76: {  	_ =	swait.ge [sflag:s24], $0x4000  }
0x77: {  	s19 =	sadd.s32 $0x1400, s19;
	[sflag:s24] =	ssyncset.done $0x0  }
0x78: {  	s22 =	sadd.s32 $0x2800, s22;
	s5 =	sadd.s32 $0x1000, s9;
	[sflag:s24] =	ssyncadd.s32 $0xFFFFC000  }
0x79: {  	[hbm4b:s5+s3] =	stream.linear.scatter [tilespmem:s16], [sflag:$0x7], $0x4000, $0x38;
	[tilespmem:$0x1A400] =	vst v63  }
0x7a: {  	_ =	swait.ge [sflag:s26], $0x4000  }
0x7b: {  	[sflag:s26] =	ssyncset.done $0x0  }
0x7c: {  	s19 =	rddreg [dreg:$0x6];
	[sflag:s26] =	ssyncadd.s32 $0xFFFFC000  }
0x7d: {  	[hbm4b:s19+s3] =	stream.linear.scatter [tilespmem:s18], [sflag:$0x8], $0x4000, $0x38;
	[tilespmem:$0x1A400] =	vst v63  }
0x7e: {  	_ =	swait.ge [sflag:s29], $0x4000  }
0x7f: {  	[sflag:s29] =	ssyncset.done $0x0  }
0x80: {  	s22 =	rddreg [dreg:$0x7];
	[sflag:s29] =	ssyncadd.s32 $0xFFFFC000  }
0x81: {  	[hbm4b:s22+s3] =	stream.linear.scatter [tilespmem:s20], [sflag:$0x9], $0x4000, $0x38;
	[tilespmem:$0x1A400] =	vst v63  }
0x82: {  	_ =	swait.ge [sflag:s31], $0x4000  }
0x83: {  	[sflag:s31] =	ssyncset.done $0x0  }
0x84: {  	[sflag:s31] =	ssyncadd.s32 $0xFFFFC000  }
0x85: {  	[hbm4b:s11+s3] =	stream.linear.scatter [tilespmem:s23], [sflag:$0xA], $0x4000, $0x38;
	[tilespmem:$0x1A400] =	vst v63  }
0x86: {  	_ =	swait.ge [sflag:s25], $0x4000  }
0x87: {  	[sflag:s25] =	ssyncset.done $0x0  }
0x88: {  	[sflag:s25] =	ssyncadd.s32 $0xFFFFC000  }
0x89: {  	_ =	swait.ge [sflag:s28], $0x4000  }
0x8a: {  	[sflag:s28] =	ssyncset.done $0x0  }
0x8b: {  	[sflag:s28] =	ssyncadd.s32 $0xFFFFC000  }
0x8c: {  	_ =	swait.ge [sflag:s30], $0x4000  }
0x8d: {  	[sflag:s30] =	ssyncset.done $0x0  }
0x8e: {  	s17 =	sadd.s32 $0x1, s17;
	[sflag:s30] =	ssyncadd.s32 $0xFFFFC000  }
0x8f: {  	p0 =	sne.s32 s17, s12;
	_ =	swait.ge [sflag:s1], $0x4000  }
.Ltmp1:
0x90: {  	[sflag:s1] =	ssyncset.done $0x0;
	(pc) =	sbr.rel @p0 .LBB2_1-.Ltmp1, $4  }
0x91: {  	[sflag:s1] =	ssyncadd.s32 $0xFFFFC000  }
0x92: {  	_ =	swait.ge [sflag:s0], $0x4000  }
0x93: {  	[sflag:s0] =	ssyncset.done $0x0  }
0x94: {  	[sflag:s0] =	ssyncadd.s32 $0xFFFFC000  }
0x95: {  	_ =	sfence.sel $0x180000  }
0x96: {  	[bflag:$0x0] =	sbarrier.arrive $0xFFFF  }
0x97: {  	_ =	strace $0x90000047  }
0x98: {  	s0 =	stileid.u32;
	[bflag:$0x2] =	sbarrier.arrive $0xFFFF  }
0x99: {  	p0 =	sne.s32 s0, $0x0;
	s0 =	rddreg [dreg:$0x2]  }
0x9a: {  	s0 =	sadd.s32 @!p0 $0x100000, s0  }
0x9b: {  	[sflag:s0] =	ssyncadd.tile.s32 @!p0 $0x1;
	_ =	shalt  }
.Lfunc_end2:
_tile_overlayer_lowered:
.L_overlay_start_2:
0x9c: {  	(tag) =	ssettag $0x2  }
0x9d: {  	s0 =	rddreg [dreg:$0x0];
	s2 =	stileid.u32  }
0x9e: {  	s1 =	rddreg [dreg:$0x1];
	p0 =	sne.s32 s2, $0x0  }
0x9f: {  	s3 =	rddreg [dreg:$0x2];
	[bflag:$0x3] =	sbarrier.arrive $0xFFFF;
	s2 =	simm.s32 @!p0 $0x1C0B  }
0xa0: {  	[timem:s3], [sflag:s2] =	dma.local @!p0 [hbm:s0], s1  }
0xa1: {  	s0 =	simm.s32 @!p0 $0xB  }
0xa2: {  	_ =	swait.ge @!p0 [sflag:s0], s1  }
0xa3: {  	s1 =	ssub.s32 @!p0 $0x0, s1;
	[sflag:s0] =	ssyncset.done @!p0 $0x0  }
0xa4: {  	[sflag:s0] =	ssyncadd.s32 @!p0 s1  }
0xa5: {  	[bflag:$0x3] =	sbarrier.arrive $0xFFFF  }
0xa6: {  	_ =	shalt  }

// kernel: sparse-core-data-format-call.cloned.1.call-start
scs
called_computation_lowered:
.L_overlay_start_0:
0x0: {  	s2 =	sld [smem:$0x3FD9]  }
0x1: {  	s3 =	sld [smem:$0x3FFE];
	_ =	sdelay $0x1  }
0x2: {  	s1 =	srdreg.scid  }
0x3: {  	s0 =	sand.u32 $0x1, s1  }
0x4: {  	s18 =	sshll.u32 s0, $0xA;
	s2 =	sadd.s32 s3, s2  }
0x5: {  	s2 =	sadd.s32 s2, s18  }
0x6: {  	[smem:$0x3FC6] =	sst s2  }
0x7: {  	_ = 	snop  }
0x8: {  	s2 =	sld [smem:$0x3FD0];
	(tm) =	ssettm $0x1  }
0x9: {  	s19 =	sld [smem:$0x3FFB];
	_ =	sdelay $0x3  }
0xa: {  	_ =	strace s19  }
0xb: {  	s3 =	sld [smem:$0x3FFC];
	_ =	sdelay $0x3  }
0xc: {  	_ =	strace s3  }
0xd: {  	s3 =	sld [smem:$0x3FFD];
	_ =	sdelay $0x3  }
0xe: {  	_ =	strace s3  }
0xf: {  	_ =	strace $0x8FFFFFFF  }
0x10: {  	s20 =	sld [smem:$0x3FDB];
	_ =	sdelay $0x1  }
0x11: {  	s4 =	simm.s32 $_scs_section_size  }
0x12: {  	s5 =	simm.s32 $_size__tile_overlayer_lowered;
	s6 =	simm.s32 $_tile_overlayer_lowered  }
0x13: {  	s23 =	simm.s32 $0x1BFF;
	s22 =	sshll.u32 s6, $0x1;
	s3 =	sadd.s32 s4, s20  }
0x14: {  	s7 =	simm.s32 $0x0;
	s21 =	sshll.u32 s5, $0x1;
	s5 =	sadd.s32 s22, s3  }
0x15: {  	[timem:s7], [sflag:s23] =	dma.local [hbm:s5], s21  }
0x16: {  	_ =	swait.ge [sflag:s23], s21  }
0x17: {  	s4 =	ssub.s32 $0x0, s21;
	[sflag:s23] =	ssyncset.done $0x0  }
0x18: {  	[sflag:s23] =	ssyncadd.s32 s4;
	_ =	sdelay $0x1  }
0x19: {  	s24 =	simm.s32 $0x1B8B  }
0x1a: {  	_ =	swait.ge [sflag:s24], $0x1  }
0x1b: {  	[sflag:s24] =	ssyncset.done $0x0  }
0x1c: {  	s26 =	simm.s32 $0x1B8E;
	s25 =	sld [smem:$0x3FFE];
	[sflag:s24] =	ssyncadd.s32 $0xFFFFFFFF  }
0x1d: {  	s27 =	simm.s32 $execute0_lowered;
	[smem:$0x3FD2] =	sst s26  }
0x1e: {  	s5 =	sshll.u32 s27, $0x1;
	_ =	strace $0x80000049;
	[dreg:$0x1] =	wrdreg $0xFFFFFFFF  }
0x1f: {  	s28 =	simm.s32 $_size_execute0_lowered;
	s3 =	sadd.s32 s3, s5;
	[dreg:$0x0] =	wrdreg $0x0  }
0x20: {  	s5 =	sshll.u32 s28, $0x1;
	[dreg:$0x2] =	wrdreg s3  }
0x21: {  	[dreg:$0x3] =	wrdreg s5  }
0x22: {  	[dreg:$0x4] =	wrdreg $0xC0  }
0x23: {  	_ =	task [dreg:s7], $0x5FFFF  }
0x24: {  	[dreg:$0x1] =	wrdreg $0xFFFFFFFF  }
0x25: {  	[dreg:$0x0] =	wrdreg $0x60  }
0x26: {  	[dreg:$0x2] =	wrdreg s25  }
0x27: {  	[dreg:$0x3] =	wrdreg s2  }
0x28: {  	[dreg:$0x4] =	wrdreg $0x9  }
0x29: {  	_ =	task.clear_ibuf [dreg:s7], $0x5FFFF;
	_ =	strace $0x90000049  }
0x2a: {  	s29 =	simm.s32 $0x9;
	_ =	strace $0x8000004B  }
0x2b: {  	_ =	swait.ge [sflag:s29], $0x1  }
0x2c: {  	[sflag:s29] =	ssyncadd.s32 $0xFFFFFFFF  }
0x2d: {  	_ =	strace $0x9000004B  }
0x2e: {  	_ =	sfence  }
0x2f: {  	s30 =	sld [smem:$0x0];
	_ =	sdelay $0x2  }
0x30: {  	s31 =	sshll.u32 s1, $0xD;
	s1 =	sshrl.u32 s1, $0x2  }
0x31: {  	s3 =	sand.u32 $0x4000, s31;
	s1 =	sadd.s32 s1, s30  }
0x32: {  	s0 =	sor.u32 s3, s0;
	s1 =	sshll.u32 s1, $0x11  }
0x33: {  	s0 =	sor.u32 s1, s0  }
0x34: {  	s0 =	sadd.s32 $0x8F2B, s0  }
0x35: {  	[sflag:s0] =	ssyncadd.remote.s32 $0x1  }
0x36: {  	_ =	sfence.sel $0xFFFF  }
0x37: {  	[dreg:$0x0] =	wrdreg $0xFFFFFFFF;
	(pc) =	sbr.abs _section_cstart, $3  }
0x38: {  	[dreg:$0x1] =	wrdreg $0xFFFFFFFF  }
0x39: {  	_ =	task.clear_ibuf [dreg:s7], $0x2FFFF;
	_ =	strace $0x9FFFFFFF  }
0x3a: {  	(tm) =	ssettm $0x7FFFFFFF  }
0x3b: {  	_ =	shalt  }
tec
execute0_lowered:
.L_overlay_start_1:
0x0: {  	(tag) =	ssettag $0x1  }
0x1: {  	s0 =	srdreg.scid  }
0x2: {  	s1 =	sshll.u32 s0, $0x4  }
0x3: {  	s0 =	stileid.u32;
	s1 =	sand.u32 $0x10, s1  }
0x4: {  	s1 =	sor.u32 s0, s1  }
0x5: {  	s6 =	rddreg [dreg:$0x0];
	s4 =	simm.s32 $0x1;
	s2 =	sshll.u32 s1, $0x7  }
0x6: {  	s7 =	simm.s32 $0x2;
	s12 =	simm.s32 $0x0;
	s1 =	ssub.s32 $0x4000, s2  }
0x7: {  	s8 =	simm.s32 $0x20000;
	s13 =	simm.s32 $0x0;
	s3 =	sand.u32 $0xF80, s1  }
0x8: {  	s9 =	simm.s32 $0x0;
	s5 =	sshrl.u32 s1, $0xC;
	p0 =	sne.s32 s3, $0x0  }
.Ltmp0:
0x9: {  	s1 =	rddreg [dreg:$0x2];
	s4 =	simm.s32 @!p0 $0x0;
	(pc) =	sbr.rel .LBB1_1-.Ltmp0, $4  }
0xa: {  	s11 =	simm.s32 $0x0;
	s3 =	rddreg [dreg:$0x1];
	s5 =	sadd.s32 s4, s5  }
0xb: {  	_ =	strace $0x8000004A;
	s4 =	simm.s32 $0x1;
	s5 =	smul.u32 $0x32, s5  }
0xc: {  	s6 =	sadd.s32 $0xA00, s6;
	s10 =	smov.u32 s2;
	[sflag:s4] =	ssyncpa.u1 $0x0  }
0xd: {  	p0 =	por $0x0, $0x0;
	[sflag:s7] =	ssyncpa.u1 $0x0;
	s7 =	sor.u32 $0x1, s5  }
.LBB1_4:
0xe: {  	s16 =	sshll.u32 s13, $0x3;
	s17 =	sand.u32 $0x78, s13  }
0xf: {  	s30 =	sand.u32 $0x1F800, s13;
	s12 =	sshll.u32 s12, $0x11;
	s16 =	sand.u32 $0x3C00, s16  }
0x10: {  	[tilespmem:s15+$0x810 ss:$0x81] =	vst.msk $0xffff, v2;
	s31 =	sand.u32 $0x7, s13;
	s16 =	sor.u32 s17, s16;
	s17 =	sadd.s32 s3, s30  }
0x11: {  	[tilespmem:s15+$0x1020 ss:$0x81] =	vst.msk $0xffff, v0;
	s13 =	sshll.u32 s31, $0x12;
	s12 =	sadd.s32 s12, s17;
	s16 =	sshrl.u32 s16, $0x3  }
0x12: {  	[tilespmem:s15+$0x0 ss:$0x81] =	vst.msk $0xffff, v1;
	s13 =	sor.u32 $0x400, s13;
	s12 =	sadd.s32 s16, s12  }
0x13: {  	[hbm4b:s12+s13] =	stream.strided.scatter [tilespmem:s14], [sflag:$0x2], $0x2000, s8, s13, $0x20;
	[tilespmem:$0x8080] =	vst v63  }
.LBB1_5:
0x14: {  	s14 =	sadd.s32 $0x1, s9  }
0x15: {  	s12 =	sadd.s32 $0x1000, s10;
	s16 =	smov.u32 s10;
	p2 =	sgt.s32 s14, $0x31  }
0x16: {  	s16 =	smov.u32 @p2 s12  }
0x17: {  	s14 =	simm.s32 @p2 $0x0;
	p2 =	sgt.s32 s16, $0x3FFF  }
0x18: {  	s16 =	smov.u32 @p2 s2;
	p2 =	sne.s32 s11, s7  }
.Ltmp1:
0x19: {  	p1 =	slt.u32 s11, $0x2;
	(pc) =	sbr.rel @!p2 .LBB1_6-.Ltmp1, $4  }
0x1a: {  	s15 =	simm.s32 @!p1 $0x2  }
0x1b: {  	s13 =	smov.u32 s10;
	p0 =	por !p0, !p0;
	_ =	swait.ge @!p1 [sflag:s15], $0x2000  }
0x1c: {  	s12 =	smov.u32 s9;
	[sflag:s15] =	ssyncset.done @!p1 $0x0;
	s9 =	smov.u32 s14  }
0x1d: {  	s11 =	sadd.s32 $0x1, s11;
	[sflag:s15] =	ssyncadd.s32 @!p1 $0xFFFFE000;
	s10 =	smov.u32 s16  }
.LBB1_1:
0x1e: {  	p1 =	sge.u32 s11, s5  }
0x1f: {  	s14 =	sand.u32 @!p1 $0x1FFFFFF, s9  }
0x20: {  	s15 =	smulhi.u32 @!p1 $0x4924925, s14;
	_ =	sdelay $0x1  }
0x21: {  	s15 =	smul.u32 @!p1 $0x38, s15  }
0x22: {  	s16 =	sxor.u32 @!p1 $0xFFFFFFFF, s11;
	s17 =	smul.u32 @!p1 $0x380, s10  }
0x23: {  	s31 =	sadd.s32 $0xFFFFFFFF, s11;
	s16 =	sshll.u32 @!p1 s16, $0xD;
	s14 =	ssub.s32 @!p1 s14, s15  }
0x24: {  	s15 =	sand.u32 @!p1 $0x2000, s16;
	s16 =	sadd.s32 @!p1 s6, s17;
	s14 =	sshll.u32 @!p1 s14, $0x4  }
0x25: {  	s17 =	simm.s32 @!p1 $0x1C00;
	s14 =	sadd.s32 @!p1 s14, s16;
	s16 =	simm.s32 @!p1 $0x40  }
0x26: {  	[tilespmem:s15], [sflag:$0x1] =	stream.strided.gather @!p1 [hbm4b:s14+s16], $0x2000, s17, s16, $0x38;
	[tilespmem:$0x8080] =	vst v63  }
0x27: {  	p1 =	sge.u32 s31, s5  }
.Ltmp2:
0x28: {  	_ = 	snop;
	(pc) =	sbr.rel @p1 .LBB1_5-.Ltmp2, $1  }
0x29: {  	_ =	sdelay $0x3  }
0x2a: {  	s14 =	simm.s32 $0x1  }
0x2b: {  	_ =	swait.ge [sflag:s4], $0x2000;
	s14 =	simm.s32 @!p0 $0x0  }
0x2c: {  	[sflag:s4] =	ssyncset.done $0x0;
	s15 =	sshll.u32 s14, $0xD  }
0x2d: {  	[sflag:s4] =	ssyncadd.s32 $0xFFFFE000;
	s18 =	sor.u32 $0x20, s15  }
0x2e: {  	s14 =	smul.u32 $0x8100, s14;
	v3 =	vld [tilespmem:s18+$0x10]  }
0x2f: {  	s30 =	sand.u32 $0x1, s11;
	v2 =	vld [tilespmem:s18+$0xFFFFFFF0]  }
0x30: {  	s15 =	smul.u32 $0x8100, s30;
	s14 =	sshrl.u32 s14, $0x2;
	v0 =	vld [tilespmem:s18+$0x0]  }
0x31: {  	v1 =	vld [tilespmem:s18+$0xFFFFFFE0];
	s16 =	sor.u32 $0x4000, s14  }
0x32: {  	s31 =	sshrl.u32 s15, $0x2;
	s15 =	sadd.s32 $0x0, s16  }
0x33: {  	s17 =	simm.s32 $0x4;
	s18 =	sadd.s32 $0x40, s18;
	s14 =	sor.u32 $0x4000, s31;
	[tilespmem:s15+$0x1830 ss:$0x81] =	vst.msk $0xffff, v3  }
.LBB1_3:
0x34: {  	v3 =	vld [tilespmem:s18+$0x10];
	p1 =	sne.s32 s17, $0x1FC;
	[tilespmem:s15+$0x810 ss:$0x81] =	vst.msk $0xffff, v2;
	s19 =	smov.u32 s17;
	s17 =	sadd.s32 $0x4, s17  }
.Ltmp3:
0x35: {  	v2 =	vld [tilespmem:s18+$0xFFFFFFF0];
	[tilespmem:s15+$0x1020 ss:$0x81] =	vst.msk $0xffff, v0;
	(pc) =	sbr.rel @p1 .LBB1_3-.Ltmp3, $4  }
0x36: {  	v0 =	vld [tilespmem:s18+$0x0];
	[tilespmem:s15+$0x0 ss:$0x81] =	vst.msk $0xffff, v1  }
0x37: {  	s15 =	sshra.s32 s19, $0x2;
	v1 =	vld [tilespmem:s18+$0xFFFFFFE0]  }
0x38: {  	s15 =	sadd.s32 s15, s16  }
0x39: {  	s18 =	sadd.s32 $0x40, s18;
	[tilespmem:s15+$0x1830 ss:$0x81] =	vst.msk $0xffff, v3  }
.Ltmp4:
0x3a: {  	_ = 	snop;
	(pc) =	sbr.rel .LBB1_4-.Ltmp4, $1  }
0x3b: {  	_ =	sdelay $0x3  }
.LBB1_6:
0x3c: {  	_ =	sfence.sel $0x180000  }
0x3d: {  	s2 =	simm.s32 $0x1;
	[bflag:$0x0] =	sbarrier.arrive $0xFFFF  }
0x3e: {  	s31 =	simm.s32 $0x2;
	[sflag:s2] =	ssyncpa.u1 $0x1  }
0x3f: {  	[sflag:s31] =	ssyncpa.u1 $0x1  }
0x40: {  	p0 =	sne.s32 s0, $0x0;
	_ =	strace $0x9000004A  }
0x41: {  	s0 =	sadd.s32 @!p0 $0x100000, s1;
	[bflag:$0x2] =	sbarrier.arrive $0xFFFF  }
0x42: {  	[sflag:s0] =	ssyncadd.tile.s32 @!p0 $0x1;
	_ =	shalt  }
.Lfunc_end1:
_tile_overlayer_lowered:
.L_overlay_start_2:
0x43: {  	(tag) =	ssettag $0x2  }
0x44: {  	s0 =	rddreg [dreg:$0x0];
	s2 =	stileid.u32  }
0x45: {  	s1 =	rddreg [dreg:$0x1];
	p0 =	sne.s32 s2, $0x0  }
0x46: {  	s3 =	rddreg [dreg:$0x2];
	[bflag:$0x3] =	sbarrier.arrive $0xFFFF;
	s2 =	simm.s32 @!p0 $0x1C01  }
0x47: {  	[timem:s3], [sflag:s2] =	dma.local @!p0 [hbm:s0], s1  }
0x48: {  	s0 =	simm.s32 @!p0 $0x1  }
0x49: {  	_ =	swait.ge @!p0 [sflag:s0], s1  }
0x4a: {  	s1 =	ssub.s32 @!p0 $0x0, s1;
	[sflag:s0] =	ssyncset.done @!p0 $0x0  }
0x4b: {  	[sflag:s0] =	ssyncadd.s32 @!p0 s1  }
0x4c: {  	[bflag:$0x3] =	sbarrier.arrive $0xFFFF  }
0x4d: {  	_ =	shalt  }

</sc_bundles>
